<compile_context>
chip_gen: v7x
topology: tpu7x:2x2x1
jax: 0.10.2.dev20260603
libtpu: 0.0.44.dev20260713+nightly
codegen_flags: <defaults>
</compile_context>

<pallas_src>
import functools

import jax
import jax.numpy as jnp
from jax import lax
from jax.experimental import pallas as pl
from jax.experimental.pallas import tpu as pltpu
from jax.experimental.pallas import tpu_sc as plsc

_BATCH = 4096
_SEQ = 200
_D = 64
_NW = 32
_N = _BATCH * _SEQ
_SUB = 128
_NSUB = 2
_CHUNK = _SUB * _NSUB
_BCHUNKS = _BATCH // _CHUNK
_NTASK = _SEQ * _BCHUNKS
_TPW = _NTASK // _NW
_NBUF = 4
_LOOKAHEAD = 2
_LANES = 16
_VPR = _D // _LANES

_mesh = plsc.VectorSubcoreMesh(core_axis_name="c", subcore_axis_name="s")


@functools.partial(
    pl.kernel,
    out_type=jax.ShapeDtypeStruct((_BATCH, _SEQ, _D), jnp.float32),
    mesh=_mesh,
    scratch_types=[
        pltpu.VMEM((_SEQ, _D), jnp.float32),
        pltpu.VMEM((_NBUF, _NSUB, _SUB), jnp.int32),
        pltpu.VMEM((_NBUF, _CHUNK, _D), jnp.float32),
        pltpu.SemaphoreType.DMA((_NBUF,)),
        pltpu.SemaphoreType.DMA((_NBUF,)),
    ],
    compiler_params=pltpu.CompilerParams(use_tc_tiling_on_sc=False),
)
def _embed(idx_hbm, table_hbm, pos_hbm, out_hbm, pos_v, idx_v, rows_v,
           gsem, ssem):
    cid = lax.axis_index("c")
    sid = lax.axis_index("s")
    wid = sid * 2 + cid
    tbase = wid * _TPW

    def fire_gather(t, b):
        base = t * _CHUNK
        for k in range(_NSUB):
            pltpu.sync_copy(idx_hbm.at[pl.ds(base + k * _SUB, _SUB)],
                            idx_v.at[b, k])
        for k in range(_NSUB):
            pltpu.async_copy(table_hbm.at[idx_v.at[b, k]],
                             rows_v.at[b, pl.ds(k * _SUB, _SUB)],
                             gsem.at[b])

    def wait_gather(b):
        for k in range(_NSUB):
            pltpu.make_async_copy(
                table_hbm.at[idx_v.at[b, k]],
                rows_v.at[b, pl.ds(k * _SUB, _SUB)],
                gsem.at[b]).wait()

    def fire_scatter(t, b):
        s = t // _BCHUNKS
        b0 = (t % _BCHUNKS) * _CHUNK
        pltpu.async_copy(rows_v.at[b], out_hbm.at[pl.ds(b0, _CHUNK), s],
                         ssem.at[b])

    def wait_scatter(b):
        pltpu.make_async_copy(rows_v.at[b], out_hbm.at[pl.ds(0, _CHUNK), 0],
                              ssem.at[b]).wait()

    pltpu.sync_copy(pos_hbm, pos_v)
    for p in range(_LOOKAHEAD):
        fire_gather(tbase + p, p)

    @pl.loop(0, _TPW)
    def _task(c):
        t = tbase + c
        b = lax.rem(c, _NBUF)

        @pl.when(c + _LOOKAHEAD < _TPW)
        def _prefetch():
            nb = lax.rem(c + _LOOKAHEAD, _NBUF)

            @pl.when(c >= _NBUF - _LOOKAHEAD)
            def _drain():
                wait_scatter(nb)
            fire_gather(t + _LOOKAHEAD, nb)

        wait_gather(b)

        s = t // _BCHUNKS
        pv = [pos_v[s, pl.ds(v * _LANES, _LANES)] for v in range(_VPR)]

        @pl.loop(0, _CHUNK, unroll=8)
        def _row(r):
            for v in range(_VPR):
                plsc.addupdate(rows_v.at[b, r, pl.ds(v * _LANES, _LANES)],
                               pv[v])

        fire_scatter(t, b)

    for u in range(_NBUF):
        wait_scatter(jnp.int32((_TPW - 1 - u) % _NBUF))


def kernel(x, table, pos_enc):
    idx = x.T.reshape(_N)
    return _embed(idx, table, pos_enc)

# --- scband reference (transcript-rebuilt; emitter-appended) ---
"""Pipeline reference for scband-base-embedding-24902220382938 (READ-ONLY COPY).

The authoritative reference and input builder live on the scoring server;
editing this copy changes nothing except your own understanding.
"""

import jax, jax.numpy as jnp
import numpy as np

VOCAB = 100000
EMBED_DIM = 64
PAD_ID = 0
NUM_LAYERS = 12
BATCH = 4096
SEQ_LEN = 200


def setup_inputs(seed: int = 0) -> dict:
    key = jax.random.key(seed)
    k1, k2, k3 = jax.random.split(key, 3)
    x = jax.random.randint(k1, (BATCH, SEQ_LEN), 0, VOCAB, dtype=jnp.int32)
    std = 0.02 / np.sqrt(2 * NUM_LAYERS)
    table = jax.random.normal(k2, (VOCAB, EMBED_DIM), dtype=jnp.float32) * std
    # padding_idx row is initialized to zero in nn.Embedding
    table = table.at[PAD_ID].set(0.0)
    # learned positional encoding table (concrete subclass implementation)
    pos_enc = jax.random.normal(k3, (SEQ_LEN, EMBED_DIM), dtype=jnp.float32) * 0.02
    return {"x": x, "table": table, "pos_enc": pos_enc}


def reference(x, table, pos_enc):
    # tokens = self.tokens(x): embedding gather
    tokens = jnp.take(table, x, axis=0)  # (B, S, D)
    # encodings = self.encodings(tokens): add positional encodings
    encodings = tokens + pos_enc[None, :, :]
    # dropout in eval mode is identity
    return encodings

if __name__ == "__main__":
    import jax
    _d = setup_inputs()
    print(jax.jit(kernel)(*tuple(_d.values())))

</pallas_src>

<mosaic_0001>
#map = affine_map<(d0, d1) -> (0)>
#map1 = affine_map<(d0, d1) -> (0, 0)>
#map2 = affine_map<(d0, d1) -> (0, 0, 0)>
module attributes {stable_mosaic.version = 14 : i64} {
  func.func @_embed(%arg0: i32, %arg1: i32, %arg2: memref<819200xi32, #tpu.memory_space<hbm>>, %arg3: memref<100000x64xf32, #tpu.memory_space<hbm>>, %arg4: memref<200x64xf32, #tpu.memory_space<hbm>>, %arg5: memref<4096x200x64xf32, #tpu.memory_space<hbm>>, %arg6: memref<200x64xf32, #tpu.memory_space<vmem>>, %arg7: memref<4x2x128xi32, #tpu.memory_space<vmem>>, %arg8: memref<4x256x64xf32, #tpu.memory_space<vmem>>, %arg9: memref<4x!tpu.dma_semaphore, #tpu.memory_space<semaphore_mem>>, %arg10: memref<4x!tpu.dma_semaphore, #tpu.memory_space<semaphore_mem>>) attributes {dimension_semantics = [#tpu.dimension_semantics<core_parallel>, #tpu.dimension_semantics<subcore_parallel>], iteration_bounds = array<i64: 2, 16>, scalar_prefetch = 0 : i64, scratch_operands = 5 : i64, tpu.core_type = #tpu.core_type<sc_vector_subcore>, window_params = [{transform_indices = #map}, {transform_indices = #map1}, {transform_indices = #map1}, {transform_indices = #map2}]} {
    %mul3A = arith.constant 2 : i32
    %mul3A_0 = arith.muli %arg1, %mul3A : i32
    %add3A = arith.addi %mul3A_0, %arg0 : i32
    %mul3A_1 = arith.constant 100 : i32
    %mul3A_2 = arith.muli %add3A, %mul3A_1 : i32
    "tpu.region"() ({
      %run_scoped3A_176 = tpu.sem_alloc : memref<!tpu.dma_semaphore, #tpu.memory_space<semaphore_mem>>
      tpu.enqueue_dma source(%arg4 : memref<200x64xf32, #tpu.memory_space<hbm>>) target(%arg6 : memref<200x64xf32, #tpu.memory_space<vmem>>) target_semaphore(%run_scoped3A_176 : memref<!tpu.dma_semaphore, #tpu.memory_space<semaphore_mem>>)
      tpu.wait_dma2 semaphore(%run_scoped3A_176 : memref<!tpu.dma_semaphore, #tpu.memory_space<semaphore_mem>>) src(%arg4 : memref<200x64xf32, #tpu.memory_space<hbm>>) dst(%arg6 : memref<200x64xf32, #tpu.memory_space<vmem>>)
      tpu.yield
    }) : () -> ()
    %add3A_3 = arith.constant 0 : i32
    %add3A_4 = arith.addi %mul3A_2, %add3A_3 : i32
    %mul3A_5 = arith.constant 256 : i32
    %mul3A_6 = arith.muli %add3A_4, %mul3A_5 : i32
    %add3A_7 = arith.constant 0 : i32
    %add3A_8 = arith.addi %mul3A_6, %add3A_7 : i32
    %run_scoped3A = arith.constant 0 : i32
    %run_scoped3A_9 = arith.constant 0 : i32
    "tpu.region"() ({
      %run_scoped3A_176 = tpu.sem_alloc : memref<!tpu.dma_semaphore, #tpu.memory_space<semaphore_mem>>
      %dma_start3A_177 = arith.constant 0 : i32
      %dma_start3A_178 = tpu.memref_slice %arg7[%run_scoped3A, %run_scoped3A_9, %dma_start3A_177] : memref<4x2x128xi32, #tpu.memory_space<vmem>> -> memref<1x1x128xi32, #tpu.memory_space<vmem>>
      %dma_start3A_179 = tpu.memref_squeeze %dma_start3A_178 : memref<1x1x128xi32, #tpu.memory_space<vmem>> -> memref<128xi32, #tpu.memory_space<vmem>>
      %dma_start3A_180 = tpu.memref_slice %arg2[%add3A_8] : memref<819200xi32, #tpu.memory_space<hbm>> -> memref<128xi32, #tpu.memory_space<hbm>>
      %dma_start3A_181 = arith.constant 0 : i32
      %dma_start3A_182 = tpu.memref_slice %arg7[%run_scoped3A, %run_scoped3A_9, %dma_start3A_181] : memref<4x2x128xi32, #tpu.memory_space<vmem>> -> memref<1x1x128xi32, #tpu.memory_space<vmem>>
      %dma_start3A_183 = tpu.memref_squeeze %dma_start3A_182 : memref<1x1x128xi32, #tpu.memory_space<vmem>> -> memref<128xi32, #tpu.memory_space<vmem>>
      %dma_start3A_184 = tpu.memref_slice %arg2[%add3A_8] : memref<819200xi32, #tpu.memory_space<hbm>> -> memref<128xi32, #tpu.memory_space<hbm>>
      tpu.enqueue_dma source(%dma_start3A_184 : memref<128xi32, #tpu.memory_space<hbm>>) target(%dma_start3A_183 : memref<128xi32, #tpu.memory_space<vmem>>) target_semaphore(%run_scoped3A_176 : memref<!tpu.dma_semaphore, #tpu.memory_space<semaphore_mem>>)
      %dma_wait3A_185 = arith.constant 0 : i32
      %dma_wait3A_186 = tpu.memref_slice %arg7[%run_scoped3A, %run_scoped3A_9, %dma_wait3A_185] : memref<4x2x128xi32, #tpu.memory_space<vmem>> -> memref<1x1x128xi32, #tpu.memory_space<vmem>>
      %dma_wait3A_187 = tpu.memref_squeeze %dma_wait3A_186 : memref<1x1x128xi32, #tpu.memory_space<vmem>> -> memref<128xi32, #tpu.memory_space<vmem>>
      %dma_wait3A_188 = tpu.memref_slice %arg2[%add3A_8] : memref<819200xi32, #tpu.memory_space<hbm>> -> memref<128xi32, #tpu.memory_space<hbm>>
      %dma_wait3A_189 = arith.constant 0 : i32
      %dma_wait3A_190 = tpu.memref_slice %arg7[%run_scoped3A, %run_scoped3A_9, %dma_wait3A_189] : memref<4x2x128xi32, #tpu.memory_space<vmem>> -> memref<1x1x128xi32, #tpu.memory_space<vmem>>
      %dma_wait3A_191 = tpu.memref_squeeze %dma_wait3A_190 : memref<1x1x128xi32, #tpu.memory_space<vmem>> -> memref<128xi32, #tpu.memory_space<vmem>>
      %dma_wait3A_192 = tpu.memref_slice %arg2[%add3A_8] : memref<819200xi32, #tpu.memory_space<hbm>> -> memref<128xi32, #tpu.memory_space<hbm>>
      tpu.wait_dma2 semaphore(%run_scoped3A_176 : memref<!tpu.dma_semaphore, #tpu.memory_space<semaphore_mem>>) src(%dma_wait3A_192 : memref<128xi32, #tpu.memory_space<hbm>>) dst(%dma_wait3A_191 : memref<128xi32, #tpu.memory_space<vmem>>)
      tpu.yield
    }) : () -> ()
    %add3A_10 = arith.constant 128 : i32
    %add3A_11 = arith.addi %mul3A_6, %add3A_10 : i32
    %run_scoped3A_12 = arith.constant 0 : i32
    %run_scoped3A_13 = arith.constant 1 : i32
    "tpu.region"() ({
      %run_scoped3A_176 = tpu.sem_alloc : memref<!tpu.dma_semaphore, #tpu.memory_space<semaphore_mem>>
      %dma_start3A_177 = arith.constant 0 : i32
      %dma_start3A_178 = tpu.memref_slice %arg7[%run_scoped3A_12, %run_scoped3A_13, %dma_start3A_177] : memref<4x2x128xi32, #tpu.memory_space<vmem>> -> memref<1x1x128xi32, #tpu.memory_space<vmem>>
      %dma_start3A_179 = tpu.memref_squeeze %dma_start3A_178 : memref<1x1x128xi32, #tpu.memory_space<vmem>> -> memref<128xi32, #tpu.memory_space<vmem>>
      %dma_start3A_180 = tpu.memref_slice %arg2[%add3A_11] : memref<819200xi32, #tpu.memory_space<hbm>> -> memref<128xi32, #tpu.memory_space<hbm>>
      %dma_start3A_181 = arith.constant 0 : i32
      %dma_start3A_182 = tpu.memref_slice %arg7[%run_scoped3A_12, %run_scoped3A_13, %dma_start3A_181] : memref<4x2x128xi32, #tpu.memory_space<vmem>> -> memref<1x1x128xi32, #tpu.memory_space<vmem>>
      %dma_start3A_183 = tpu.memref_squeeze %dma_start3A_182 : memref<1x1x128xi32, #tpu.memory_space<vmem>> -> memref<128xi32, #tpu.memory_space<vmem>>
      %dma_start3A_184 = tpu.memref_slice %arg2[%add3A_11] : memref<819200xi32, #tpu.memory_space<hbm>> -> memref<128xi32, #tpu.memory_space<hbm>>
      tpu.enqueue_dma source(%dma_start3A_184 : memref<128xi32, #tpu.memory_space<hbm>>) target(%dma_start3A_183 : memref<128xi32, #tpu.memory_space<vmem>>) target_semaphore(%run_scoped3A_176 : memref<!tpu.dma_semaphore, #tpu.memory_space<semaphore_mem>>)
      %dma_wait3A_185 = arith.constant 0 : i32
      %dma_wait3A_186 = tpu.memref_slice %arg7[%run_scoped3A_12, %run_scoped3A_13, %dma_wait3A_185] : memref<4x2x128xi32, #tpu.memory_space<vmem>> -> memref<1x1x128xi32, #tpu.memory_space<vmem>>
      %dma_wait3A_187 = tpu.memref_squeeze %dma_wait3A_186 : memref<1x1x128xi32, #tpu.memory_space<vmem>> -> memref<128xi32, #tpu.memory_space<vmem>>
      %dma_wait3A_188 = tpu.memref_slice %arg2[%add3A_11] : memref<819200xi32, #tpu.memory_space<hbm>> -> memref<128xi32, #tpu.memory_space<hbm>>
      %dma_wait3A_189 = arith.constant 0 : i32
      %dma_wait3A_190 = tpu.memref_slice %arg7[%run_scoped3A_12, %run_scoped3A_13, %dma_wait3A_189] : memref<4x2x128xi32, #tpu.memory_space<vmem>> -> memref<1x1x128xi32, #tpu.memory_space<vmem>>
      %dma_wait3A_191 = tpu.memref_squeeze %dma_wait3A_190 : memref<1x1x128xi32, #tpu.memory_space<vmem>> -> memref<128xi32, #tpu.memory_space<vmem>>
      %dma_wait3A_192 = tpu.memref_slice %arg2[%add3A_11] : memref<819200xi32, #tpu.memory_space<hbm>> -> memref<128xi32, #tpu.memory_space<hbm>>
      tpu.wait_dma2 semaphore(%run_scoped3A_176 : memref<!tpu.dma_semaphore, #tpu.memory_space<semaphore_mem>>) src(%dma_wait3A_192 : memref<128xi32, #tpu.memory_space<hbm>>) dst(%dma_wait3A_191 : memref<128xi32, #tpu.memory_space<vmem>>)
      tpu.yield
    }) : () -> ()
    %dma_start3A = arith.constant 0 : i32
    %dma_start3A_14 = arith.constant 0 : i32
    %dma_start3A_15 = arith.constant 0 : i32
    %dma_start3A_16 = arith.constant 0 : i32
    %dma_start3A_17 = arith.constant 0 : i32
    %dma_start3A_18 = arith.constant 0 : i32
    %dma_start3A_19 = tpu.memref_slice %arg8[%dma_start3A_15, %dma_start3A_17, %dma_start3A_18] : memref<4x256x64xf32, #tpu.memory_space<vmem>> -> memref<1x128x64xf32, #tpu.memory_space<vmem>>
    %dma_start3A_20 = tpu.memref_squeeze %dma_start3A_19 : memref<1x128x64xf32, #tpu.memory_space<vmem>> -> memref<128x64xf32, #tpu.memory_space<vmem>>
    %dma_start3A_21 = arith.constant 0 : i32
    %dma_start3A_22 = tpu.memref_slice %arg7[%dma_start3A, %dma_start3A_14, %dma_start3A_21] : memref<4x2x128xi32, #tpu.memory_space<vmem>> -> memref<1x1x128xi32, #tpu.memory_space<vmem>>
    %dma_start3A_23 = tpu.memref_squeeze %dma_start3A_22 : memref<1x1x128xi32, #tpu.memory_space<vmem>> -> memref<128xi32, #tpu.memory_space<vmem>>
    %dma_start3A_24 = arith.constant 0 : i32
    %dma_start3A_25 = arith.constant 0 : i32
    %dma_start3A_26 = tpu.memref_slice %arg3[%dma_start3A_24, %dma_start3A_25] : memref<100000x64xf32, #tpu.memory_space<hbm>> -> memref<100000x64xf32, #tpu.memory_space<hbm>>
    %dma_start3A_27 = tpu.memref_slice %arg9[%dma_start3A_16] : memref<4x!tpu.dma_semaphore, #tpu.memory_space<semaphore_mem>> -> memref<1x!tpu.dma_semaphore, #tpu.memory_space<semaphore_mem>>
    %dma_start3A_28 = tpu.memref_squeeze %dma_start3A_27 : memref<1x!tpu.dma_semaphore, #tpu.memory_space<semaphore_mem>> -> memref<!tpu.dma_semaphore, #tpu.memory_space<semaphore_mem>>
    tpu.enqueue_indirect_dma source(%dma_start3A_26 : memref<100000x64xf32, #tpu.memory_space<hbm>>) target(%dma_start3A_20 : memref<128x64xf32, #tpu.memory_space<vmem>>) offsets(%dma_start3A_23 : memref<128xi32, #tpu.memory_space<vmem>>) semaphore(%dma_start3A_28 : memref<!tpu.dma_semaphore, #tpu.memory_space<semaphore_mem>>)
    %dma_start3A_29 = arith.constant 0 : i32
    %dma_start3A_30 = arith.constant 1 : i32
    %dma_start3A_31 = arith.constant 0 : i32
    %dma_start3A_32 = arith.constant 0 : i32
    %dma_start3A_33 = arith.constant 128 : i32
    %dma_start3A_34 = arith.constant 0 : i32
    %dma_start3A_35 = tpu.memref_slice %arg8[%dma_start3A_31, %dma_start3A_33, %dma_start3A_34] : memref<4x256x64xf32, #tpu.memory_space<vmem>> -> memref<1x128x64xf32, #tpu.memory_space<vmem>>
    %dma_start3A_36 = tpu.memref_squeeze %dma_start3A_35 : memref<1x128x64xf32, #tpu.memory_space<vmem>> -> memref<128x64xf32, #tpu.memory_space<vmem>>
    %dma_start3A_37 = arith.constant 0 : i32
    %dma_start3A_38 = tpu.memref_slice %arg7[%dma_start3A_29, %dma_start3A_30, %dma_start3A_37] : memref<4x2x128xi32, #tpu.memory_space<vmem>> -> memref<1x1x128xi32, #tpu.memory_space<vmem>>
    %dma_start3A_39 = tpu.memref_squeeze %dma_start3A_38 : memref<1x1x128xi32, #tpu.memory_space<vmem>> -> memref<128xi32, #tpu.memory_space<vmem>>
    %dma_start3A_40 = arith.constant 0 : i32
    %dma_start3A_41 = arith.constant 0 : i32
    %dma_start3A_42 = tpu.memref_slice %arg3[%dma_start3A_40, %dma_start3A_41] : memref<100000x64xf32, #tpu.memory_space<hbm>> -> memref<100000x64xf32, #tpu.memory_space<hbm>>
    %dma_start3A_43 = tpu.memref_slice %arg9[%dma_start3A_32] : memref<4x!tpu.dma_semaphore, #tpu.memory_space<semaphore_mem>> -> memref<1x!tpu.dma_semaphore, #tpu.memory_space<semaphore_mem>>
    %dma_start3A_44 = tpu.memref_squeeze %dma_start3A_43 : memref<1x!tpu.dma_semaphore, #tpu.memory_space<semaphore_mem>> -> memref<!tpu.dma_semaphore, #tpu.memory_space<semaphore_mem>>
    tpu.enqueue_indirect_dma source(%dma_start3A_42 : memref<100000x64xf32, #tpu.memory_space<hbm>>) target(%dma_start3A_36 : memref<128x64xf32, #tpu.memory_space<vmem>>) offsets(%dma_start3A_39 : memref<128xi32, #tpu.memory_space<vmem>>) semaphore(%dma_start3A_44 : memref<!tpu.dma_semaphore, #tpu.memory_space<semaphore_mem>>)
    %add3A_45 = arith.constant 1 : i32
    %add3A_46 = arith.addi %mul3A_2, %add3A_45 : i32
    %mul3A_47 = arith.constant 256 : i32
    %mul3A_48 = arith.muli %add3A_46, %mul3A_47 : i32
    %add3A_49 = arith.constant 0 : i32
    %add3A_50 = arith.addi %mul3A_48, %add3A_49 : i32
    %run_scoped3A_51 = arith.constant 1 : i32
    %run_scoped3A_52 = arith.constant 0 : i32
    "tpu.region"() ({
      %run_scoped3A_176 = tpu.sem_alloc : memref<!tpu.dma_semaphore, #tpu.memory_space<semaphore_mem>>
      %dma_start3A_177 = arith.constant 0 : i32
      %dma_start3A_178 = tpu.memref_slice %arg7[%run_scoped3A_51, %run_scoped3A_52, %dma_start3A_177] : memref<4x2x128xi32, #tpu.memory_space<vmem>> -> memref<1x1x128xi32, #tpu.memory_space<vmem>>
      %dma_start3A_179 = tpu.memref_squeeze %dma_start3A_178 : memref<1x1x128xi32, #tpu.memory_space<vmem>> -> memref<128xi32, #tpu.memory_space<vmem>>
      %dma_start3A_180 = tpu.memref_slice %arg2[%add3A_50] : memref<819200xi32, #tpu.memory_space<hbm>> -> memref<128xi32, #tpu.memory_space<hbm>>
      %dma_start3A_181 = arith.constant 0 : i32
      %dma_start3A_182 = tpu.memref_slice %arg7[%run_scoped3A_51, %run_scoped3A_52, %dma_start3A_181] : memref<4x2x128xi32, #tpu.memory_space<vmem>> -> memref<1x1x128xi32, #tpu.memory_space<vmem>>
      %dma_start3A_183 = tpu.memref_squeeze %dma_start3A_182 : memref<1x1x128xi32, #tpu.memory_space<vmem>> -> memref<128xi32, #tpu.memory_space<vmem>>
      %dma_start3A_184 = tpu.memref_slice %arg2[%add3A_50] : memref<819200xi32, #tpu.memory_space<hbm>> -> memref<128xi32, #tpu.memory_space<hbm>>
      tpu.enqueue_dma source(%dma_start3A_184 : memref<128xi32, #tpu.memory_space<hbm>>) target(%dma_start3A_183 : memref<128xi32, #tpu.memory_space<vmem>>) target_semaphore(%run_scoped3A_176 : memref<!tpu.dma_semaphore, #tpu.memory_space<semaphore_mem>>)
      %dma_wait3A_185 = arith.constant 0 : i32
      %dma_wait3A_186 = tpu.memref_slice %arg7[%run_scoped3A_51, %run_scoped3A_52, %dma_wait3A_185] : memref<4x2x128xi32, #tpu.memory_space<vmem>> -> memref<1x1x128xi32, #tpu.memory_space<vmem>>
      %dma_wait3A_187 = tpu.memref_squeeze %dma_wait3A_186 : memref<1x1x128xi32, #tpu.memory_space<vmem>> -> memref<128xi32, #tpu.memory_space<vmem>>
      %dma_wait3A_188 = tpu.memref_slice %arg2[%add3A_50] : memref<819200xi32, #tpu.memory_space<hbm>> -> memref<128xi32, #tpu.memory_space<hbm>>
      %dma_wait3A_189 = arith.constant 0 : i32
      %dma_wait3A_190 = tpu.memref_slice %arg7[%run_scoped3A_51, %run_scoped3A_52, %dma_wait3A_189] : memref<4x2x128xi32, #tpu.memory_space<vmem>> -> memref<1x1x128xi32, #tpu.memory_space<vmem>>
      %dma_wait3A_191 = tpu.memref_squeeze %dma_wait3A_190 : memref<1x1x128xi32, #tpu.memory_space<vmem>> -> memref<128xi32, #tpu.memory_space<vmem>>
      %dma_wait3A_192 = tpu.memref_slice %arg2[%add3A_50] : memref<819200xi32, #tpu.memory_space<hbm>> -> memref<128xi32, #tpu.memory_space<hbm>>
      tpu.wait_dma2 semaphore(%run_scoped3A_176 : memref<!tpu.dma_semaphore, #tpu.memory_space<semaphore_mem>>) src(%dma_wait3A_192 : memref<128xi32, #tpu.memory_space<hbm>>) dst(%dma_wait3A_191 : memref<128xi32, #tpu.memory_space<vmem>>)
      tpu.yield
    }) : () -> ()
    %add3A_53 = arith.constant 128 : i32
    %add3A_54 = arith.addi %mul3A_48, %add3A_53 : i32
    %run_scoped3A_55 = arith.constant 1 : i32
    %run_scoped3A_56 = arith.constant 1 : i32
    "tpu.region"() ({
      %run_scoped3A_176 = tpu.sem_alloc : memref<!tpu.dma_semaphore, #tpu.memory_space<semaphore_mem>>
      %dma_start3A_177 = arith.constant 0 : i32
      %dma_start3A_178 = tpu.memref_slice %arg7[%run_scoped3A_55, %run_scoped3A_56, %dma_start3A_177] : memref<4x2x128xi32, #tpu.memory_space<vmem>> -> memref<1x1x128xi32, #tpu.memory_space<vmem>>
      %dma_start3A_179 = tpu.memref_squeeze %dma_start3A_178 : memref<1x1x128xi32, #tpu.memory_space<vmem>> -> memref<128xi32, #tpu.memory_space<vmem>>
      %dma_start3A_180 = tpu.memref_slice %arg2[%add3A_54] : memref<819200xi32, #tpu.memory_space<hbm>> -> memref<128xi32, #tpu.memory_space<hbm>>
      %dma_start3A_181 = arith.constant 0 : i32
      %dma_start3A_182 = tpu.memref_slice %arg7[%run_scoped3A_55, %run_scoped3A_56, %dma_start3A_181] : memref<4x2x128xi32, #tpu.memory_space<vmem>> -> memref<1x1x128xi32, #tpu.memory_space<vmem>>
      %dma_start3A_183 = tpu.memref_squeeze %dma_start3A_182 : memref<1x1x128xi32, #tpu.memory_space<vmem>> -> memref<128xi32, #tpu.memory_space<vmem>>
      %dma_start3A_184 = tpu.memref_slice %arg2[%add3A_54] : memref<819200xi32, #tpu.memory_space<hbm>> -> memref<128xi32, #tpu.memory_space<hbm>>
      tpu.enqueue_dma source(%dma_start3A_184 : memref<128xi32, #tpu.memory_space<hbm>>) target(%dma_start3A_183 : memref<128xi32, #tpu.memory_space<vmem>>) target_semaphore(%run_scoped3A_176 : memref<!tpu.dma_semaphore, #tpu.memory_space<semaphore_mem>>)
      %dma_wait3A_185 = arith.constant 0 : i32
      %dma_wait3A_186 = tpu.memref_slice %arg7[%run_scoped3A_55, %run_scoped3A_56, %dma_wait3A_185] : memref<4x2x128xi32, #tpu.memory_space<vmem>> -> memref<1x1x128xi32, #tpu.memory_space<vmem>>
      %dma_wait3A_187 = tpu.memref_squeeze %dma_wait3A_186 : memref<1x1x128xi32, #tpu.memory_space<vmem>> -> memref<128xi32, #tpu.memory_space<vmem>>
      %dma_wait3A_188 = tpu.memref_slice %arg2[%add3A_54] : memref<819200xi32, #tpu.memory_space<hbm>> -> memref<128xi32, #tpu.memory_space<hbm>>
      %dma_wait3A_189 = arith.constant 0 : i32
      %dma_wait3A_190 = tpu.memref_slice %arg7[%run_scoped3A_55, %run_scoped3A_56, %dma_wait3A_189] : memref<4x2x128xi32, #tpu.memory_space<vmem>> -> memref<1x1x128xi32, #tpu.memory_space<vmem>>
      %dma_wait3A_191 = tpu.memref_squeeze %dma_wait3A_190 : memref<1x1x128xi32, #tpu.memory_space<vmem>> -> memref<128xi32, #tpu.memory_space<vmem>>
      %dma_wait3A_192 = tpu.memref_slice %arg2[%add3A_54] : memref<819200xi32, #tpu.memory_space<hbm>> -> memref<128xi32, #tpu.memory_space<hbm>>
      tpu.wait_dma2 semaphore(%run_scoped3A_176 : memref<!tpu.dma_semaphore, #tpu.memory_space<semaphore_mem>>) src(%dma_wait3A_192 : memref<128xi32, #tpu.memory_space<hbm>>) dst(%dma_wait3A_191 : memref<128xi32, #tpu.memory_space<vmem>>)
      tpu.yield
    }) : () -> ()
    %dma_start3A_57 = arith.constant 1 : i32
    %dma_start3A_58 = arith.constant 0 : i32
    %dma_start3A_59 = arith.constant 1 : i32
    %dma_start3A_60 = arith.constant 1 : i32
    %dma_start3A_61 = arith.constant 0 : i32
    %dma_start3A_62 = arith.constant 0 : i32
    %dma_start3A_63 = tpu.memref_slice %arg8[%dma_start3A_59, %dma_start3A_61, %dma_start3A_62] : memref<4x256x64xf32, #tpu.memory_space<vmem>> -> memref<1x128x64xf32, #tpu.memory_space<vmem>>
    %dma_start3A_64 = tpu.memref_squeeze %dma_start3A_63 : memref<1x128x64xf32, #tpu.memory_space<vmem>> -> memref<128x64xf32, #tpu.memory_space<vmem>>
    %dma_start3A_65 = arith.constant 0 : i32
    %dma_start3A_66 = tpu.memref_slice %arg7[%dma_start3A_57, %dma_start3A_58, %dma_start3A_65] : memref<4x2x128xi32, #tpu.memory_space<vmem>> -> memref<1x1x128xi32, #tpu.memory_space<vmem>>
    %dma_start3A_67 = tpu.memref_squeeze %dma_start3A_66 : memref<1x1x128xi32, #tpu.memory_space<vmem>> -> memref<128xi32, #tpu.memory_space<vmem>>
    %dma_start3A_68 = arith.constant 0 : i32
    %dma_start3A_69 = arith.constant 0 : i32
    %dma_start3A_70 = tpu.memref_slice %arg3[%dma_start3A_68, %dma_start3A_69] : memref<100000x64xf32, #tpu.memory_space<hbm>> -> memref<100000x64xf32, #tpu.memory_space<hbm>>
    %dma_start3A_71 = tpu.memref_slice %arg9[%dma_start3A_60] : memref<4x!tpu.dma_semaphore, #tpu.memory_space<semaphore_mem>> -> memref<1x!tpu.dma_semaphore, #tpu.memory_space<semaphore_mem>>
    %dma_start3A_72 = tpu.memref_squeeze %dma_start3A_71 : memref<1x!tpu.dma_semaphore, #tpu.memory_space<semaphore_mem>> -> memref<!tpu.dma_semaphore, #tpu.memory_space<semaphore_mem>>
    tpu.enqueue_indirect_dma source(%dma_start3A_70 : memref<100000x64xf32, #tpu.memory_space<hbm>>) target(%dma_start3A_64 : memref<128x64xf32, #tpu.memory_space<vmem>>) offsets(%dma_start3A_67 : memref<128xi32, #tpu.memory_space<vmem>>) semaphore(%dma_start3A_72 : memref<!tpu.dma_semaphore, #tpu.memory_space<semaphore_mem>>)
    %dma_start3A_73 = arith.constant 1 : i32
    %dma_start3A_74 = arith.constant 1 : i32
    %dma_start3A_75 = arith.constant 1 : i32
    %dma_start3A_76 = arith.constant 1 : i32
    %dma_start3A_77 = arith.constant 128 : i32
    %dma_start3A_78 = arith.constant 0 : i32
    %dma_start3A_79 = tpu.memref_slice %arg8[%dma_start3A_75, %dma_start3A_77, %dma_start3A_78] : memref<4x256x64xf32, #tpu.memory_space<vmem>> -> memref<1x128x64xf32, #tpu.memory_space<vmem>>
    %dma_start3A_80 = tpu.memref_squeeze %dma_start3A_79 : memref<1x128x64xf32, #tpu.memory_space<vmem>> -> memref<128x64xf32, #tpu.memory_space<vmem>>
    %dma_start3A_81 = arith.constant 0 : i32
    %dma_start3A_82 = tpu.memref_slice %arg7[%dma_start3A_73, %dma_start3A_74, %dma_start3A_81] : memref<4x2x128xi32, #tpu.memory_space<vmem>> -> memref<1x1x128xi32, #tpu.memory_space<vmem>>
    %dma_start3A_83 = tpu.memref_squeeze %dma_start3A_82 : memref<1x1x128xi32, #tpu.memory_space<vmem>> -> memref<128xi32, #tpu.memory_space<vmem>>
    %dma_start3A_84 = arith.constant 0 : i32
    %dma_start3A_85 = arith.constant 0 : i32
    %dma_start3A_86 = tpu.memref_slice %arg3[%dma_start3A_84, %dma_start3A_85] : memref<100000x64xf32, #tpu.memory_space<hbm>> -> memref<100000x64xf32, #tpu.memory_space<hbm>>
    %dma_start3A_87 = tpu.memref_slice %arg9[%dma_start3A_76] : memref<4x!tpu.dma_semaphore, #tpu.memory_space<semaphore_mem>> -> memref<1x!tpu.dma_semaphore, #tpu.memory_space<semaphore_mem>>
    %dma_start3A_88 = tpu.memref_squeeze %dma_start3A_87 : memref<1x!tpu.dma_semaphore, #tpu.memory_space<semaphore_mem>> -> memref<!tpu.dma_semaphore, #tpu.memory_space<semaphore_mem>>
    tpu.enqueue_indirect_dma source(%dma_start3A_86 : memref<100000x64xf32, #tpu.memory_space<hbm>>) target(%dma_start3A_80 : memref<128x64xf32, #tpu.memory_space<vmem>>) offsets(%dma_start3A_83 : memref<128xi32, #tpu.memory_space<vmem>>) semaphore(%dma_start3A_88 : memref<!tpu.dma_semaphore, #tpu.memory_space<semaphore_mem>>)
    %scan3A = arith.constant 0 : i32
    %scan3A_89 = arith.constant 100 : i32
    %scan3A_90 = arith.addi %scan3A, %scan3A_89 : i32
    %scan3A_91 = arith.constant 1 : i32
    scf.for %scan3A_176 = %scan3A to %scan3A_90 step %scan3A_91  : i32 {
      %mul3A_177 = arith.constant 1 : i32
      %mul3A_178 = arith.muli %scan3A_176, %mul3A_177 : i32
      %add3A_179 = arith.constant 0 : i32
      %add3A_180 = arith.addi %add3A_179, %mul3A_178 : i32
      %add3A_181 = arith.addi %mul3A_2, %add3A_180 : i32
      %rem3A = arith.constant 4 : i32
      %rem3A_182 = arith.remsi %add3A_180, %rem3A : i32
      %add3A_183 = arith.constant 2 : i32
      %add3A_184 = arith.addi %add3A_180, %add3A_183 : i32
      %lt3A = arith.constant 100 : i32
      %lt3A_185 = arith.cmpi slt, %add3A_184, %lt3A : i32
      %convert_element_type3A = arith.extui %lt3A_185 : i1 to i32
      %cond3A = arith.constant 0 : i32
      %cond3A_186 = arith.cmpi ne, %convert_element_type3A, %cond3A : i32
      scf.if %cond3A_186 {
        %add3A_307 = arith.constant 2 : i32
        %add3A_308 = arith.addi %add3A_180, %add3A_307 : i32
        %rem3A_309 = arith.constant 4 : i32
        %rem3A_310 = arith.remsi %add3A_308, %rem3A_309 : i32
        %ge3A = arith.constant 2 : i32
        %ge3A_311 = arith.cmpi sge, %add3A_180, %ge3A : i32
        %convert_element_type3A_312 = arith.extui %ge3A_311 : i1 to i32
        %cond3A_313 = arith.constant 0 : i32
        %cond3A_314 = arith.cmpi ne, %convert_element_type3A_312, %cond3A_313 : i32
        scf.if %cond3A_314 {
          %dma_wait3A_351 = arith.constant 0 : i32
          %dma_wait3A_352 = arith.constant 0 : i32
          %dma_wait3A_353 = arith.constant 0 : i32
          %dma_wait3A_354 = tpu.memref_slice %arg8[%rem3A_310, %dma_wait3A_352, %dma_wait3A_353] : memref<4x256x64xf32, #tpu.memory_space<vmem>> -> memref<1x256x64xf32, #tpu.memory_space<vmem>>
          %dma_wait3A_355 = tpu.memref_squeeze %dma_wait3A_354 : memref<1x256x64xf32, #tpu.memory_space<vmem>> -> memref<256x64xf32, #tpu.memory_space<vmem>>
          %dma_wait3A_356 = arith.constant 0 : i32
          %dma_wait3A_357 = arith.constant 0 : i32
          %dma_wait3A_358 = tpu.memref_slice %arg5[%dma_wait3A_356, %dma_wait3A_351, %dma_wait3A_357] : memref<4096x200x64xf32, #tpu.memory_space<hbm>> -> memref<256x1x64xf32, #tpu.memory_space<hbm>>
          %dma_wait3A_359 = tpu.memref_squeeze %dma_wait3A_358 : memref<256x1x64xf32, #tpu.memory_space<hbm>> -> memref<256x64xf32, #tpu.memory_space<hbm>>
          %dma_wait3A_360 = tpu.memref_slice %arg10[%rem3A_310] : memref<4x!tpu.dma_semaphore, #tpu.memory_space<semaphore_mem>> -> memref<1x!tpu.dma_semaphore, #tpu.memory_space<semaphore_mem>>
          %dma_wait3A_361 = tpu.memref_squeeze %dma_wait3A_360 : memref<1x!tpu.dma_semaphore, #tpu.memory_space<semaphore_mem>> -> memref<!tpu.dma_semaphore, #tpu.memory_space<semaphore_mem>>
          %dma_wait3A_362 = arith.constant 0 : i32
          %dma_wait3A_363 = arith.constant 0 : i32
          %dma_wait3A_364 = tpu.memref_slice %arg5[%dma_wait3A_362, %dma_wait3A_351, %dma_wait3A_363] : memref<4096x200x64xf32, #tpu.memory_space<hbm>> -> memref<256x1x64xf32, #tpu.memory_space<hbm>>
          %dma_wait3A_365 = tpu.memref_squeeze %dma_wait3A_364 : memref<256x1x64xf32, #tpu.memory_space<hbm>> -> memref<256x64xf32, #tpu.memory_space<hbm>>
          %dma_wait3A_366 = arith.constant 0 : i32
          %dma_wait3A_367 = arith.constant 0 : i32
          %dma_wait3A_368 = tpu.memref_slice %arg8[%rem3A_310, %dma_wait3A_366, %dma_wait3A_367] : memref<4x256x64xf32, #tpu.memory_space<vmem>> -> memref<1x256x64xf32, #tpu.memory_space<vmem>>
          %dma_wait3A_369 = tpu.memref_squeeze %dma_wait3A_368 : memref<1x256x64xf32, #tpu.memory_space<vmem>> -> memref<256x64xf32, #tpu.memory_space<vmem>>
          tpu.wait_dma2 semaphore(%dma_wait3A_361 : memref<!tpu.dma_semaphore, #tpu.memory_space<semaphore_mem>>) src(%dma_wait3A_369 : memref<256x64xf32, #tpu.memory_space<vmem>>) dst(%dma_wait3A_365 : memref<256x64xf32, #tpu.memory_space<hbm>>)
        } else {
        }
        %add3A_315 = arith.constant 2 : i32
        %add3A_316 = arith.addi %add3A_181, %add3A_315 : i32
        %mul3A_317 = arith.constant 256 : i32
        %mul3A_318 = arith.muli %add3A_316, %mul3A_317 : i32
        %add3A_319 = arith.constant 0 : i32
        %add3A_320 = arith.addi %mul3A_318, %add3A_319 : i32
        %run_scoped3A_321 = arith.constant 0 : i32
        "tpu.region"() ({
          %run_scoped3A_351 = tpu.sem_alloc : memref<!tpu.dma_semaphore, #tpu.memory_space<semaphore_mem>>
          %dma_start3A_352 = arith.constant 0 : i32
          %dma_start3A_353 = tpu.memref_slice %arg7[%rem3A_310, %run_scoped3A_321, %dma_start3A_352] : memref<4x2x128xi32, #tpu.memory_space<vmem>> -> memref<1x1x128xi32, #tpu.memory_space<vmem>>
          %dma_start3A_354 = tpu.memref_squeeze %dma_start3A_353 : memref<1x1x128xi32, #tpu.memory_space<vmem>> -> memref<128xi32, #tpu.memory_space<vmem>>
          %dma_start3A_355 = tpu.memref_slice %arg2[%add3A_320] : memref<819200xi32, #tpu.memory_space<hbm>> -> memref<128xi32, #tpu.memory_space<hbm>>
          %dma_start3A_356 = arith.constant 0 : i32
          %dma_start3A_357 = tpu.memref_slice %arg7[%rem3A_310, %run_scoped3A_321, %dma_start3A_356] : memref<4x2x128xi32, #tpu.memory_space<vmem>> -> memref<1x1x128xi32, #tpu.memory_space<vmem>>
          %dma_start3A_358 = tpu.memref_squeeze %dma_start3A_357 : memref<1x1x128xi32, #tpu.memory_space<vmem>> -> memref<128xi32, #tpu.memory_space<vmem>>
          %dma_start3A_359 = tpu.memref_slice %arg2[%add3A_320] : memref<819200xi32, #tpu.memory_space<hbm>> -> memref<128xi32, #tpu.memory_space<hbm>>
          tpu.enqueue_dma source(%dma_start3A_359 : memref<128xi32, #tpu.memory_space<hbm>>) target(%dma_start3A_358 : memref<128xi32, #tpu.memory_space<vmem>>) target_semaphore(%run_scoped3A_351 : memref<!tpu.dma_semaphore, #tpu.memory_space<semaphore_mem>>)
          %dma_wait3A_360 = arith.constant 0 : i32
          %dma_wait3A_361 = tpu.memref_slice %arg7[%rem3A_310, %run_scoped3A_321, %dma_wait3A_360] : memref<4x2x128xi32, #tpu.memory_space<vmem>> -> memref<1x1x128xi32, #tpu.memory_space<vmem>>
          %dma_wait3A_362 = tpu.memref_squeeze %dma_wait3A_361 : memref<1x1x128xi32, #tpu.memory_space<vmem>> -> memref<128xi32, #tpu.memory_space<vmem>>
          %dma_wait3A_363 = tpu.memref_slice %arg2[%add3A_320] : memref<819200xi32, #tpu.memory_space<hbm>> -> memref<128xi32, #tpu.memory_space<hbm>>
          %dma_wait3A_364 = arith.constant 0 : i32
          %dma_wait3A_365 = tpu.memref_slice %arg7[%rem3A_310, %run_scoped3A_321, %dma_wait3A_364] : memref<4x2x128xi32, #tpu.memory_space<vmem>> -> memref<1x1x128xi32, #tpu.memory_space<vmem>>
          %dma_wait3A_366 = tpu.memref_squeeze %dma_wait3A_365 : memref<1x1x128xi32, #tpu.memory_space<vmem>> -> memref<128xi32, #tpu.memory_space<vmem>>
          %dma_wait3A_367 = tpu.memref_slice %arg2[%add3A_320] : memref<819200xi32, #tpu.memory_space<hbm>> -> memref<128xi32, #tpu.memory_space<hbm>>
          tpu.wait_dma2 semaphore(%run_scoped3A_351 : memref<!tpu.dma_semaphore, #tpu.memory_space<semaphore_mem>>) src(%dma_wait3A_367 : memref<128xi32, #tpu.memory_space<hbm>>) dst(%dma_wait3A_366 : memref<128xi32, #tpu.memory_space<vmem>>)
          tpu.yield
        }) : () -> ()
        %add3A_322 = arith.constant 128 : i32
        %add3A_323 = arith.addi %mul3A_318, %add3A_322 : i32
        %run_scoped3A_324 = arith.constant 1 : i32
        "tpu.region"() ({
          %run_scoped3A_351 = tpu.sem_alloc : memref<!tpu.dma_semaphore, #tpu.memory_space<semaphore_mem>>
          %dma_start3A_352 = arith.constant 0 : i32
          %dma_start3A_353 = tpu.memref_slice %arg7[%rem3A_310, %run_scoped3A_324, %dma_start3A_352] : memref<4x2x128xi32, #tpu.memory_space<vmem>> -> memref<1x1x128xi32, #tpu.memory_space<vmem>>
          %dma_start3A_354 = tpu.memref_squeeze %dma_start3A_353 : memref<1x1x128xi32, #tpu.memory_space<vmem>> -> memref<128xi32, #tpu.memory_space<vmem>>
          %dma_start3A_355 = tpu.memref_slice %arg2[%add3A_323] : memref<819200xi32, #tpu.memory_space<hbm>> -> memref<128xi32, #tpu.memory_space<hbm>>
          %dma_start3A_356 = arith.constant 0 : i32
          %dma_start3A_357 = tpu.memref_slice %arg7[%rem3A_310, %run_scoped3A_324, %dma_start3A_356] : memref<4x2x128xi32, #tpu.memory_space<vmem>> -> memref<1x1x128xi32, #tpu.memory_space<vmem>>
          %dma_start3A_358 = tpu.memref_squeeze %dma_start3A_357 : memref<1x1x128xi32, #tpu.memory_space<vmem>> -> memref<128xi32, #tpu.memory_space<vmem>>
          %dma_start3A_359 = tpu.memref_slice %arg2[%add3A_323] : memref<819200xi32, #tpu.memory_space<hbm>> -> memref<128xi32, #tpu.memory_space<hbm>>
          tpu.enqueue_dma source(%dma_start3A_359 : memref<128xi32, #tpu.memory_space<hbm>>) target(%dma_start3A_358 : memref<128xi32, #tpu.memory_space<vmem>>) target_semaphore(%run_scoped3A_351 : memref<!tpu.dma_semaphore, #tpu.memory_space<semaphore_mem>>)
          %dma_wait3A_360 = arith.constant 0 : i32
          %dma_wait3A_361 = tpu.memref_slice %arg7[%rem3A_310, %run_scoped3A_324, %dma_wait3A_360] : memref<4x2x128xi32, #tpu.memory_space<vmem>> -> memref<1x1x128xi32, #tpu.memory_space<vmem>>
          %dma_wait3A_362 = tpu.memref_squeeze %dma_wait3A_361 : memref<1x1x128xi32, #tpu.memory_space<vmem>> -> memref<128xi32, #tpu.memory_space<vmem>>
          %dma_wait3A_363 = tpu.memref_slice %arg2[%add3A_323] : memref<819200xi32, #tpu.memory_space<hbm>> -> memref<128xi32, #tpu.memory_space<hbm>>
          %dma_wait3A_364 = arith.constant 0 : i32
          %dma_wait3A_365 = tpu.memref_slice %arg7[%rem3A_310, %run_scoped3A_324, %dma_wait3A_364] : memref<4x2x128xi32, #tpu.memory_space<vmem>> -> memref<1x1x128xi32, #tpu.memory_space<vmem>>
          %dma_wait3A_366 = tpu.memref_squeeze %dma_wait3A_365 : memref<1x1x128xi32, #tpu.memory_space<vmem>> -> memref<128xi32, #tpu.memory_space<vmem>>
          %dma_wait3A_367 = tpu.memref_slice %arg2[%add3A_323] : memref<819200xi32, #tpu.memory_space<hbm>> -> memref<128xi32, #tpu.memory_space<hbm>>
          tpu.wait_dma2 semaphore(%run_scoped3A_351 : memref<!tpu.dma_semaphore, #tpu.memory_space<semaphore_mem>>) src(%dma_wait3A_367 : memref<128xi32, #tpu.memory_space<hbm>>) dst(%dma_wait3A_366 : memref<128xi32, #tpu.memory_space<vmem>>)
          tpu.yield
        }) : () -> ()
        %dma_start3A_325 = arith.constant 0 : i32
        %dma_start3A_326 = arith.constant 0 : i32
        %dma_start3A_327 = arith.constant 0 : i32
        %dma_start3A_328 = tpu.memref_slice %arg8[%rem3A_310, %dma_start3A_326, %dma_start3A_327] : memref<4x256x64xf32, #tpu.memory_space<vmem>> -> memref<1x128x64xf32, #tpu.memory_space<vmem>>
        %dma_start3A_329 = tpu.memref_squeeze %dma_start3A_328 : memref<1x128x64xf32, #tpu.memory_space<vmem>> -> memref<128x64xf32, #tpu.memory_space<vmem>>
        %dma_start3A_330 = arith.constant 0 : i32
        %dma_start3A_331 = tpu.memref_slice %arg7[%rem3A_310, %dma_start3A_325, %dma_start3A_330] : memref<4x2x128xi32, #tpu.memory_space<vmem>> -> memref<1x1x128xi32, #tpu.memory_space<vmem>>
        %dma_start3A_332 = tpu.memref_squeeze %dma_start3A_331 : memref<1x1x128xi32, #tpu.memory_space<vmem>> -> memref<128xi32, #tpu.memory_space<vmem>>
        %dma_start3A_333 = arith.constant 0 : i32
        %dma_start3A_334 = arith.constant 0 : i32
        %dma_start3A_335 = tpu.memref_slice %arg3[%dma_start3A_333, %dma_start3A_334] : memref<100000x64xf32, #tpu.memory_space<hbm>> -> memref<100000x64xf32, #tpu.memory_space<hbm>>
        %dma_start3A_336 = tpu.memref_slice %arg9[%rem3A_310] : memref<4x!tpu.dma_semaphore, #tpu.memory_space<semaphore_mem>> -> memref<1x!tpu.dma_semaphore, #tpu.memory_space<semaphore_mem>>
        %dma_start3A_337 = tpu.memref_squeeze %dma_start3A_336 : memref<1x!tpu.dma_semaphore, #tpu.memory_space<semaphore_mem>> -> memref<!tpu.dma_semaphore, #tpu.memory_space<semaphore_mem>>
        tpu.enqueue_indirect_dma source(%dma_start3A_335 : memref<100000x64xf32, #tpu.memory_space<hbm>>) target(%dma_start3A_329 : memref<128x64xf32, #tpu.memory_space<vmem>>) offsets(%dma_start3A_332 : memref<128xi32, #tpu.memory_space<vmem>>) semaphore(%dma_start3A_337 : memref<!tpu.dma_semaphore, #tpu.memory_space<semaphore_mem>>)
        %dma_start3A_338 = arith.constant 1 : i32
        %dma_start3A_339 = arith.constant 128 : i32
        %dma_start3A_340 = arith.constant 0 : i32
        %dma_start3A_341 = tpu.memref_slice %arg8[%rem3A_310, %dma_start3A_339, %dma_start3A_340] : memref<4x256x64xf32, #tpu.memory_space<vmem>> -> memref<1x128x64xf32, #tpu.memory_space<vmem>>
        %dma_start3A_342 = tpu.memref_squeeze %dma_start3A_341 : memref<1x128x64xf32, #tpu.memory_space<vmem>> -> memref<128x64xf32, #tpu.memory_space<vmem>>
        %dma_start3A_343 = arith.constant 0 : i32
        %dma_start3A_344 = tpu.memref_slice %arg7[%rem3A_310, %dma_start3A_338, %dma_start3A_343] : memref<4x2x128xi32, #tpu.memory_space<vmem>> -> memref<1x1x128xi32, #tpu.memory_space<vmem>>
        %dma_start3A_345 = tpu.memref_squeeze %dma_start3A_344 : memref<1x1x128xi32, #tpu.memory_space<vmem>> -> memref<128xi32, #tpu.memory_space<vmem>>
        %dma_start3A_346 = arith.constant 0 : i32
        %dma_start3A_347 = arith.constant 0 : i32
        %dma_start3A_348 = tpu.memref_slice %arg3[%dma_start3A_346, %dma_start3A_347] : memref<100000x64xf32, #tpu.memory_space<hbm>> -> memref<100000x64xf32, #tpu.memory_space<hbm>>
        %dma_start3A_349 = tpu.memref_slice %arg9[%rem3A_310] : memref<4x!tpu.dma_semaphore, #tpu.memory_space<semaphore_mem>> -> memref<1x!tpu.dma_semaphore, #tpu.memory_space<semaphore_mem>>
        %dma_start3A_350 = tpu.memref_squeeze %dma_start3A_349 : memref<1x!tpu.dma_semaphore, #tpu.memory_space<semaphore_mem>> -> memref<!tpu.dma_semaphore, #tpu.memory_space<semaphore_mem>>
        tpu.enqueue_indirect_dma source(%dma_start3A_348 : memref<100000x64xf32, #tpu.memory_space<hbm>>) target(%dma_start3A_342 : memref<128x64xf32, #tpu.memory_space<vmem>>) offsets(%dma_start3A_345 : memref<128xi32, #tpu.memory_space<vmem>>) semaphore(%dma_start3A_350 : memref<!tpu.dma_semaphore, #tpu.memory_space<semaphore_mem>>)
      } else {
      }
      %dma_wait3A_187 = arith.constant 0 : i32
      %dma_wait3A_188 = arith.constant 0 : i32
      %dma_wait3A_189 = arith.constant 0 : i32
      %dma_wait3A_190 = tpu.memref_slice %arg8[%rem3A_182, %dma_wait3A_188, %dma_wait3A_189] : memref<4x256x64xf32, #tpu.memory_space<vmem>> -> memref<1x128x64xf32, #tpu.memory_space<vmem>>
      %dma_wait3A_191 = tpu.memref_squeeze %dma_wait3A_190 : memref<1x128x64xf32, #tpu.memory_space<vmem>> -> memref<128x64xf32, #tpu.memory_space<vmem>>
      %dma_wait3A_192 = arith.constant 0 : i32
      %dma_wait3A_193 = tpu.memref_slice %arg7[%rem3A_182, %dma_wait3A_187, %dma_wait3A_192] : memref<4x2x128xi32, #tpu.memory_space<vmem>> -> memref<1x1x128xi32, #tpu.memory_space<vmem>>
      %dma_wait3A_194 = tpu.memref_squeeze %dma_wait3A_193 : memref<1x1x128xi32, #tpu.memory_space<vmem>> -> memref<128xi32, #tpu.memory_space<vmem>>
      %dma_wait3A_195 = arith.constant 0 : i32
      %dma_wait3A_196 = arith.constant 0 : i32
      %dma_wait3A_197 = tpu.memref_slice %arg3[%dma_wait3A_195, %dma_wait3A_196] : memref<100000x64xf32, #tpu.memory_space<hbm>> -> memref<100000x64xf32, #tpu.memory_space<hbm>>
      %dma_wait3A_198 = tpu.memref_slice %arg9[%rem3A_182] : memref<4x!tpu.dma_semaphore, #tpu.memory_space<semaphore_mem>> -> memref<1x!tpu.dma_semaphore, #tpu.memory_space<semaphore_mem>>
      %dma_wait3A_199 = tpu.memref_squeeze %dma_wait3A_198 : memref<1x!tpu.dma_semaphore, #tpu.memory_space<semaphore_mem>> -> memref<!tpu.dma_semaphore, #tpu.memory_space<semaphore_mem>>
      tpu.wait_indirect_dma semaphore(%dma_wait3A_199 : memref<!tpu.dma_semaphore, #tpu.memory_space<semaphore_mem>>) src(%dma_wait3A_197 : memref<100000x64xf32, #tpu.memory_space<hbm>>) dst(%dma_wait3A_191 : memref<128x64xf32, #tpu.memory_space<vmem>>)
      %dma_wait3A_200 = arith.constant 1 : i32
      %dma_wait3A_201 = arith.constant 128 : i32
      %dma_wait3A_202 = arith.constant 0 : i32
      %dma_wait3A_203 = tpu.memref_slice %arg8[%rem3A_182, %dma_wait3A_201, %dma_wait3A_202] : memref<4x256x64xf32, #tpu.memory_space<vmem>> -> memref<1x128x64xf32, #tpu.memory_space<vmem>>
      %dma_wait3A_204 = tpu.memref_squeeze %dma_wait3A_203 : memref<1x128x64xf32, #tpu.memory_space<vmem>> -> memref<128x64xf32, #tpu.memory_space<vmem>>
      %dma_wait3A_205 = arith.constant 0 : i32
      %dma_wait3A_206 = tpu.memref_slice %arg7[%rem3A_182, %dma_wait3A_200, %dma_wait3A_205] : memref<4x2x128xi32, #tpu.memory_space<vmem>> -> memref<1x1x128xi32, #tpu.memory_space<vmem>>
      %dma_wait3A_207 = tpu.memref_squeeze %dma_wait3A_206 : memref<1x1x128xi32, #tpu.memory_space<vmem>> -> memref<128xi32, #tpu.memory_space<vmem>>
      %dma_wait3A_208 = arith.constant 0 : i32
      %dma_wait3A_209 = arith.constant 0 : i32
      %dma_wait3A_210 = tpu.memref_slice %arg3[%dma_wait3A_208, %dma_wait3A_209] : memref<100000x64xf32, #tpu.memory_space<hbm>> -> memref<100000x64xf32, #tpu.memory_space<hbm>>
      %dma_wait3A_211 = tpu.memref_slice %arg9[%rem3A_182] : memref<4x!tpu.dma_semaphore, #tpu.memory_space<semaphore_mem>> -> memref<1x!tpu.dma_semaphore, #tpu.memory_space<semaphore_mem>>
      %dma_wait3A_212 = tpu.memref_squeeze %dma_wait3A_211 : memref<1x!tpu.dma_semaphore, #tpu.memory_space<semaphore_mem>> -> memref<!tpu.dma_semaphore, #tpu.memory_space<semaphore_mem>>
      tpu.wait_indirect_dma semaphore(%dma_wait3A_212 : memref<!tpu.dma_semaphore, #tpu.memory_space<semaphore_mem>>) src(%dma_wait3A_210 : memref<100000x64xf32, #tpu.memory_space<hbm>>) dst(%dma_wait3A_204 : memref<128x64xf32, #tpu.memory_space<vmem>>)
      %jit3A = arith.constant 16 : i32
      %div3A = arith.divsi %add3A_181, %jit3A : i32
      %sign3A = arith.constant 0 : i32
      %sign3A_213 = arith.cmpi sgt, %add3A_181, %sign3A : i32
      %sign3A_214 = arith.extui %sign3A_213 : i1 to i32
      %sign3A_215 = arith.constant 0 : i32
      %sign3A_216 = arith.cmpi slt, %add3A_181, %sign3A_215 : i32
      %sign3A_217 = arith.extui %sign3A_216 : i1 to i32
      %sign3A_218 = arith.subi %sign3A_214, %sign3A_217 : i32
      %sign3A_219 = arith.constant 0 : i32
      %sign3A_220 = arith.cmpi sgt, %jit3A, %sign3A_219 : i32
      %sign3A_221 = arith.extui %sign3A_220 : i1 to i32
      %sign3A_222 = arith.constant 0 : i32
      %sign3A_223 = arith.cmpi slt, %jit3A, %sign3A_222 : i32
      %sign3A_224 = arith.extui %sign3A_223 : i1 to i32
      %sign3A_225 = arith.subi %sign3A_221, %sign3A_224 : i32
      %ne3A = arith.cmpi ne, %sign3A_218, %sign3A_225 : i32
      %rem3A_226 = arith.remsi %add3A_181, %jit3A : i32
      %ne3A_227 = arith.constant 0 : i32
      %ne3A_228 = arith.cmpi ne, %rem3A_226, %ne3A_227 : i32
      %and3A = arith.andi %ne3A, %ne3A_228 : i1
      %sub3A = arith.constant 1 : i32
      %sub3A_229 = arith.subi %div3A, %sub3A : i32
      %select_n3A = arith.select %and3A, %sub3A_229, %div3A : i32
      %get3A = arith.index_cast %select_n3A : i32 to index
      %get3A_230 = arith.constant 0 : index
      %get3A_231 = tpu.vector_load %arg6[%get3A, %get3A_230] {strides = array<i32>} : memref<200x64xf32, #tpu.memory_space<vmem>>, vector<1x16xf32>,
      %get3A_232 = vector.shape_cast %get3A_231 : vector<1x16xf32> to vector<16xf32>
      %get3A_233 = arith.index_cast %select_n3A : i32 to index
      %get3A_234 = arith.constant 16 : index
      %get3A_235 = tpu.vector_load %arg6[%get3A_233, %get3A_234] {strides = array<i32>} : memref<200x64xf32, #tpu.memory_space<vmem>>, vector<1x16xf32>,
      %get3A_236 = vector.shape_cast %get3A_235 : vector<1x16xf32> to vector<16xf32>
      %get3A_237 = arith.index_cast %select_n3A : i32 to index
      %get3A_238 = arith.constant 32 : index
      %get3A_239 = tpu.vector_load %arg6[%get3A_237, %get3A_238] {strides = array<i32>} : memref<200x64xf32, #tpu.memory_space<vmem>>, vector<1x16xf32>,
      %get3A_240 = vector.shape_cast %get3A_239 : vector<1x16xf32> to vector<16xf32>
      %get3A_241 = arith.index_cast %select_n3A : i32 to index
      %get3A_242 = arith.constant 48 : index
      %get3A_243 = tpu.vector_load %arg6[%get3A_241, %get3A_242] {strides = array<i32>} : memref<200x64xf32, #tpu.memory_space<vmem>>, vector<1x16xf32>,
      %get3A_244 = vector.shape_cast %get3A_243 : vector<1x16xf32> to vector<16xf32>
      %scan3A_245 = arith.constant 0 : i32
      %scan3A_246 = arith.constant 256 : i32
      %scan3A_247 = arith.addi %scan3A_245, %scan3A_246 : i32
      %scan3A_248 = arith.constant 8 : i32
      scf.for %scan3A_307 = %scan3A_245 to %scan3A_247 step %scan3A_248  : i32 {
        %mul3A_308 = arith.constant 1 : i32
        %mul3A_309 = arith.muli %scan3A_307, %mul3A_308 : i32
        %add3A_310 = arith.constant 0 : i32
        %add3A_311 = arith.addi %add3A_310, %mul3A_309 : i32
        %swap3A = arith.index_cast %rem3A_182 : i32 to index
        %swap3A_312 = arith.index_cast %add3A_311 : i32 to index
        %swap3A_313 = arith.constant 0 : index
        %swap3A_314 = tpu.vector_load %arg8[%swap3A, %swap3A_312, %swap3A_313] {strides = array<i32>} : memref<4x256x64xf32, #tpu.memory_space<vmem>>, vector<1x1x16xf32>,
        %swap3A_315 = vector.shape_cast %swap3A_314 : vector<1x1x16xf32> to vector<16xf32>
        %swap3A_316 = vector.shape_cast %get3A_232 : vector<16xf32> to vector<1x1x16xf32>
        tpu.vector_store %arg8[%swap3A, %swap3A_312, %swap3A_313], %swap3A_316 {add = true, strides = array<i32>} : memref<4x256x64xf32, #tpu.memory_space<vmem>>, vector<1x1x16xf32>,
        %swap3A_317 = arith.index_cast %rem3A_182 : i32 to index
        %swap3A_318 = arith.index_cast %add3A_311 : i32 to index
        %swap3A_319 = arith.constant 16 : index
        %swap3A_320 = tpu.vector_load %arg8[%swap3A_317, %swap3A_318, %swap3A_319] {strides = array<i32>} : memref<4x256x64xf32, #tpu.memory_space<vmem>>, vector<1x1x16xf32>,
        %swap3A_321 = vector.shape_cast %swap3A_320 : vector<1x1x16xf32> to vector<16xf32>
        %swap3A_322 = vector.shape_cast %get3A_236 : vector<16xf32> to vector<1x1x16xf32>
        tpu.vector_store %arg8[%swap3A_317, %swap3A_318, %swap3A_319], %swap3A_322 {add = true, strides = array<i32>} : memref<4x256x64xf32, #tpu.memory_space<vmem>>, vector<1x1x16xf32>,
        %swap3A_323 = arith.index_cast %rem3A_182 : i32 to index
        %swap3A_324 = arith.index_cast %add3A_311 : i32 to index
        %swap3A_325 = arith.constant 32 : index
        %swap3A_326 = tpu.vector_load %arg8[%swap3A_323, %swap3A_324, %swap3A_325] {strides = array<i32>} : memref<4x256x64xf32, #tpu.memory_space<vmem>>, vector<1x1x16xf32>,
        %swap3A_327 = vector.shape_cast %swap3A_326 : vector<1x1x16xf32> to vector<16xf32>
        %swap3A_328 = vector.shape_cast %get3A_240 : vector<16xf32> to vector<1x1x16xf32>
        tpu.vector_store %arg8[%swap3A_323, %swap3A_324, %swap3A_325], %swap3A_328 {add = true, strides = array<i32>} : memref<4x256x64xf32, #tpu.memory_space<vmem>>, vector<1x1x16xf32>,
        %swap3A_329 = arith.index_cast %rem3A_182 : i32 to index
        %swap3A_330 = arith.index_cast %add3A_311 : i32 to index
        %swap3A_331 = arith.constant 48 : index
        %swap3A_332 = tpu.vector_load %arg8[%swap3A_329, %swap3A_330, %swap3A_331] {strides = array<i32>} : memref<4x256x64xf32, #tpu.memory_space<vmem>>, vector<1x1x16xf32>,
        %swap3A_333 = vector.shape_cast %swap3A_332 : vector<1x1x16xf32> to vector<16xf32>
        %swap3A_334 = vector.shape_cast %get3A_244 : vector<16xf32> to vector<1x1x16xf32>
        tpu.vector_store %arg8[%swap3A_329, %swap3A_330, %swap3A_331], %swap3A_334 {add = true, strides = array<i32>} : memref<4x256x64xf32, #tpu.memory_space<vmem>>, vector<1x1x16xf32>,
        %scan3A_335 = arith.constant 1 : i32
        %scan3A_336 = arith.addi %scan3A_307, %scan3A_335 : i32
        %mul3A_337 = arith.constant 1 : i32
        %mul3A_338 = arith.muli %scan3A_336, %mul3A_337 : i32
        %add3A_339 = arith.constant 0 : i32
        %add3A_340 = arith.addi %add3A_339, %mul3A_338 : i32
        %swap3A_341 = arith.index_cast %rem3A_182 : i32 to index
        %swap3A_342 = arith.index_cast %add3A_340 : i32 to index
        %swap3A_343 = arith.constant 0 : index
        %swap3A_344 = tpu.vector_load %arg8[%swap3A_341, %swap3A_342, %swap3A_343] {strides = array<i32>} : memref<4x256x64xf32, #tpu.memory_space<vmem>>, vector<1x1x16xf32>,
        %swap3A_345 = vector.shape_cast %swap3A_344 : vector<1x1x16xf32> to vector<16xf32>
        %swap3A_346 = vector.shape_cast %get3A_232 : vector<16xf32> to vector<1x1x16xf32>
        tpu.vector_store %arg8[%swap3A_341, %swap3A_342, %swap3A_343], %swap3A_346 {add = true, strides = array<i32>} : memref<4x256x64xf32, #tpu.memory_space<vmem>>, vector<1x1x16xf32>,
        %swap3A_347 = arith.index_cast %rem3A_182 : i32 to index
        %swap3A_348 = arith.index_cast %add3A_340 : i32 to index
        %swap3A_349 = arith.constant 16 : index
        %swap3A_350 = tpu.vector_load %arg8[%swap3A_347, %swap3A_348, %swap3A_349] {strides = array<i32>} : memref<4x256x64xf32, #tpu.memory_space<vmem>>, vector<1x1x16xf32>,
        %swap3A_351 = vector.shape_cast %swap3A_350 : vector<1x1x16xf32> to vector<16xf32>
        %swap3A_352 = vector.shape_cast %get3A_236 : vector<16xf32> to vector<1x1x16xf32>
        tpu.vector_store %arg8[%swap3A_347, %swap3A_348, %swap3A_349], %swap3A_352 {add = true, strides = array<i32>} : memref<4x256x64xf32, #tpu.memory_space<vmem>>, vector<1x1x16xf32>,
        %swap3A_353 = arith.index_cast %rem3A_182 : i32 to index
        %swap3A_354 = arith.index_cast %add3A_340 : i32 to index
        %swap3A_355 = arith.constant 32 : index
        %swap3A_356 = tpu.vector_load %arg8[%swap3A_353, %swap3A_354, %swap3A_355] {strides = array<i32>} : memref<4x256x64xf32, #tpu.memory_space<vmem>>, vector<1x1x16xf32>,
        %swap3A_357 = vector.shape_cast %swap3A_356 : vector<1x1x16xf32> to vector<16xf32>
        %swap3A_358 = vector.shape_cast %get3A_240 : vector<16xf32> to vector<1x1x16xf32>
        tpu.vector_store %arg8[%swap3A_353, %swap3A_354, %swap3A_355], %swap3A_358 {add = true, strides = array<i32>} : memref<4x256x64xf32, #tpu.memory_space<vmem>>, vector<1x1x16xf32>,
        %swap3A_359 = arith.index_cast %rem3A_182 : i32 to index
        %swap3A_360 = arith.index_cast %add3A_340 : i32 to index
        %swap3A_361 = arith.constant 48 : index
        %swap3A_362 = tpu.vector_load %arg8[%swap3A_359, %swap3A_360, %swap3A_361] {strides = array<i32>} : memref<4x256x64xf32, #tpu.memory_space<vmem>>, vector<1x1x16xf32>,
        %swap3A_363 = vector.shape_cast %swap3A_362 : vector<1x1x16xf32> to vector<16xf32>
        %swap3A_364 = vector.shape_cast %get3A_244 : vector<16xf32> to vector<1x1x16xf32>
        tpu.vector_store %arg8[%swap3A_359, %swap3A_360, %swap3A_361], %swap3A_364 {add = true, strides = array<i32>} : memref<4x256x64xf32, #tpu.memory_space<vmem>>, vector<1x1x16xf32>,
        %scan3A_365 = arith.constant 2 : i32
        %scan3A_366 = arith.addi %scan3A_307, %scan3A_365 : i32
        %mul3A_367 = arith.constant 1 : i32
        %mul3A_368 = arith.muli %scan3A_366, %mul3A_367 : i32
        %add3A_369 = arith.constant 0 : i32
        %add3A_370 = arith.addi %add3A_369, %mul3A_368 : i32
        %swap3A_371 = arith.index_cast %rem3A_182 : i32 to index
        %swap3A_372 = arith.index_cast %add3A_370 : i32 to index
        %swap3A_373 = arith.constant 0 : index
        %swap3A_374 = tpu.vector_load %arg8[%swap3A_371, %swap3A_372, %swap3A_373] {strides = array<i32>} : memref<4x256x64xf32, #tpu.memory_space<vmem>>, vector<1x1x16xf32>,
        %swap3A_375 = vector.shape_cast %swap3A_374 : vector<1x1x16xf32> to vector<16xf32>
        %swap3A_376 = vector.shape_cast %get3A_232 : vector<16xf32> to vector<1x1x16xf32>
        tpu.vector_store %arg8[%swap3A_371, %swap3A_372, %swap3A_373], %swap3A_376 {add = true, strides = array<i32>} : memref<4x256x64xf32, #tpu.memory_space<vmem>>, vector<1x1x16xf32>,
        %swap3A_377 = arith.index_cast %rem3A_182 : i32 to index
        %swap3A_378 = arith.index_cast %add3A_370 : i32 to index
        %swap3A_379 = arith.constant 16 : index
        %swap3A_380 = tpu.vector_load %arg8[%swap3A_377, %swap3A_378, %swap3A_379] {strides = array<i32>} : memref<4x256x64xf32, #tpu.memory_space<vmem>>, vector<1x1x16xf32>,
        %swap3A_381 = vector.shape_cast %swap3A_380 : vector<1x1x16xf32> to vector<16xf32>
        %swap3A_382 = vector.shape_cast %get3A_236 : vector<16xf32> to vector<1x1x16xf32>
        tpu.vector_store %arg8[%swap3A_377, %swap3A_378, %swap3A_379], %swap3A_382 {add = true, strides = array<i32>} : memref<4x256x64xf32, #tpu.memory_space<vmem>>, vector<1x1x16xf32>,
        %swap3A_383 = arith.index_cast %rem3A_182 : i32 to index
        %swap3A_384 = arith.index_cast %add3A_370 : i32 to index
        %swap3A_385 = arith.constant 32 : index
        %swap3A_386 = tpu.vector_load %arg8[%swap3A_383, %swap3A_384, %swap3A_385] {strides = array<i32>} : memref<4x256x64xf32, #tpu.memory_space<vmem>>, vector<1x1x16xf32>,
        %swap3A_387 = vector.shape_cast %swap3A_386 : vector<1x1x16xf32> to vector<16xf32>
        %swap3A_388 = vector.shape_cast %get3A_240 : vector<16xf32> to vector<1x1x16xf32>
        tpu.vector_store %arg8[%swap3A_383, %swap3A_384, %swap3A_385], %swap3A_388 {add = true, strides = array<i32>} : memref<4x256x64xf32, #tpu.memory_space<vmem>>, vector<1x1x16xf32>,
        %swap3A_389 = arith.index_cast %rem3A_182 : i32 to index
        %swap3A_390 = arith.index_cast %add3A_370 : i32 to index
        %swap3A_391 = arith.constant 48 : index
        %swap3A_392 = tpu.vector_load %arg8[%swap3A_389, %swap3A_390, %swap3A_391] {strides = array<i32>} : memref<4x256x64xf32, #tpu.memory_space<vmem>>, vector<1x1x16xf32>,
        %swap3A_393 = vector.shape_cast %swap3A_392 : vector<1x1x16xf32> to vector<16xf32>
        %swap3A_394 = vector.shape_cast %get3A_244 : vector<16xf32> to vector<1x1x16xf32>
        tpu.vector_store %arg8[%swap3A_389, %swap3A_390, %swap3A_391], %swap3A_394 {add = true, strides = array<i32>} : memref<4x256x64xf32, #tpu.memory_space<vmem>>, vector<1x1x16xf32>,
        %scan3A_395 = arith.constant 3 : i32
        %scan3A_396 = arith.addi %scan3A_307, %scan3A_395 : i32
        %mul3A_397 = arith.constant 1 : i32
        %mul3A_398 = arith.muli %scan3A_396, %mul3A_397 : i32
        %add3A_399 = arith.constant 0 : i32
        %add3A_400 = arith.addi %add3A_399, %mul3A_398 : i32
        %swap3A_401 = arith.index_cast %rem3A_182 : i32 to index
        %swap3A_402 = arith.index_cast %add3A_400 : i32 to index
        %swap3A_403 = arith.constant 0 : index
        %swap3A_404 = tpu.vector_load %arg8[%swap3A_401, %swap3A_402, %swap3A_403] {strides = array<i32>} : memref<4x256x64xf32, #tpu.memory_space<vmem>>, vector<1x1x16xf32>,
        %swap3A_405 = vector.shape_cast %swap3A_404 : vector<1x1x16xf32> to vector<16xf32>
        %swap3A_406 = vector.shape_cast %get3A_232 : vector<16xf32> to vector<1x1x16xf32>
        tpu.vector_store %arg8[%swap3A_401, %swap3A_402, %swap3A_403], %swap3A_406 {add = true, strides = array<i32>} : memref<4x256x64xf32, #tpu.memory_space<vmem>>, vector<1x1x16xf32>,
        %swap3A_407 = arith.index_cast %rem3A_182 : i32 to index
        %swap3A_408 = arith.index_cast %add3A_400 : i32 to index
        %swap3A_409 = arith.constant 16 : index
        %swap3A_410 = tpu.vector_load %arg8[%swap3A_407, %swap3A_408, %swap3A_409] {strides = array<i32>} : memref<4x256x64xf32, #tpu.memory_space<vmem>>, vector<1x1x16xf32>,
        %swap3A_411 = vector.shape_cast %swap3A_410 : vector<1x1x16xf32> to vector<16xf32>
        %swap3A_412 = vector.shape_cast %get3A_236 : vector<16xf32> to vector<1x1x16xf32>
        tpu.vector_store %arg8[%swap3A_407, %swap3A_408, %swap3A_409], %swap3A_412 {add = true, strides = array<i32>} : memref<4x256x64xf32, #tpu.memory_space<vmem>>, vector<1x1x16xf32>,
        %swap3A_413 = arith.index_cast %rem3A_182 : i32 to index
        %swap3A_414 = arith.index_cast %add3A_400 : i32 to index
        %swap3A_415 = arith.constant 32 : index
        %swap3A_416 = tpu.vector_load %arg8[%swap3A_413, %swap3A_414, %swap3A_415] {strides = array<i32>} : memref<4x256x64xf32, #tpu.memory_space<vmem>>, vector<1x1x16xf32>,
        %swap3A_417 = vector.shape_cast %swap3A_416 : vector<1x1x16xf32> to vector<16xf32>
        %swap3A_418 = vector.shape_cast %get3A_240 : vector<16xf32> to vector<1x1x16xf32>
        tpu.vector_store %arg8[%swap3A_413, %swap3A_414, %swap3A_415], %swap3A_418 {add = true, strides = array<i32>} : memref<4x256x64xf32, #tpu.memory_space<vmem>>, vector<1x1x16xf32>,
        %swap3A_419 = arith.index_cast %rem3A_182 : i32 to index
        %swap3A_420 = arith.index_cast %add3A_400 : i32 to index
        %swap3A_421 = arith.constant 48 : index
        %swap3A_422 = tpu.vector_load %arg8[%swap3A_419, %swap3A_420, %swap3A_421] {strides = array<i32>} : memref<4x256x64xf32, #tpu.memory_space<vmem>>, vector<1x1x16xf32>,
        %swap3A_423 = vector.shape_cast %swap3A_422 : vector<1x1x16xf32> to vector<16xf32>
        %swap3A_424 = vector.shape_cast %get3A_244 : vector<16xf32> to vector<1x1x16xf32>
        tpu.vector_store %arg8[%swap3A_419, %swap3A_420, %swap3A_421], %swap3A_424 {add = true, strides = array<i32>} : memref<4x256x64xf32, #tpu.memory_space<vmem>>, vector<1x1x16xf32>,
        %scan3A_425 = arith.constant 4 : i32
        %scan3A_426 = arith.addi %scan3A_307, %scan3A_425 : i32
        %mul3A_427 = arith.constant 1 : i32
        %mul3A_428 = arith.muli %scan3A_426, %mul3A_427 : i32
        %add3A_429 = arith.constant 0 : i32
        %add3A_430 = arith.addi %add3A_429, %mul3A_428 : i32
        %swap3A_431 = arith.index_cast %rem3A_182 : i32 to index
        %swap3A_432 = arith.index_cast %add3A_430 : i32 to index
        %swap3A_433 = arith.constant 0 : index
        %swap3A_434 = tpu.vector_load %arg8[%swap3A_431, %swap3A_432, %swap3A_433] {strides = array<i32>} : memref<4x256x64xf32, #tpu.memory_space<vmem>>, vector<1x1x16xf32>,
        %swap3A_435 = vector.shape_cast %swap3A_434 : vector<1x1x16xf32> to vector<16xf32>
        %swap3A_436 = vector.shape_cast %get3A_232 : vector<16xf32> to vector<1x1x16xf32>
        tpu.vector_store %arg8[%swap3A_431, %swap3A_432, %swap3A_433], %swap3A_436 {add = true, strides = array<i32>} : memref<4x256x64xf32, #tpu.memory_space<vmem>>, vector<1x1x16xf32>,
        %swap3A_437 = arith.index_cast %rem3A_182 : i32 to index
        %swap3A_438 = arith.index_cast %add3A_430 : i32 to index
        %swap3A_439 = arith.constant 16 : index
        %swap3A_440 = tpu.vector_load %arg8[%swap3A_437, %swap3A_438, %swap3A_439] {strides = array<i32>} : memref<4x256x64xf32, #tpu.memory_space<vmem>>, vector<1x1x16xf32>,
        %swap3A_441 = vector.shape_cast %swap3A_440 : vector<1x1x16xf32> to vector<16xf32>
        %swap3A_442 = vector.shape_cast %get3A_236 : vector<16xf32> to vector<1x1x16xf32>
        tpu.vector_store %arg8[%swap3A_437, %swap3A_438, %swap3A_439], %swap3A_442 {add = true, strides = array<i32>} : memref<4x256x64xf32, #tpu.memory_space<vmem>>, vector<1x1x16xf32>,
        %swap3A_443 = arith.index_cast %rem3A_182 : i32 to index
        %swap3A_444 = arith.index_cast %add3A_430 : i32 to index
        %swap3A_445 = arith.constant 32 : index
        %swap3A_446 = tpu.vector_load %arg8[%swap3A_443, %swap3A_444, %swap3A_445] {strides = array<i32>} : memref<4x256x64xf32, #tpu.memory_space<vmem>>, vector<1x1x16xf32>,
        %swap3A_447 = vector.shape_cast %swap3A_446 : vector<1x1x16xf32> to vector<16xf32>
        %swap3A_448 = vector.shape_cast %get3A_240 : vector<16xf32> to vector<1x1x16xf32>
        tpu.vector_store %arg8[%swap3A_443, %swap3A_444, %swap3A_445], %swap3A_448 {add = true, strides = array<i32>} : memref<4x256x64xf32, #tpu.memory_space<vmem>>, vector<1x1x16xf32>,
        %swap3A_449 = arith.index_cast %rem3A_182 : i32 to index
        %swap3A_450 = arith.index_cast %add3A_430 : i32 to index
        %swap3A_451 = arith.constant 48 : index
        %swap3A_452 = tpu.vector_load %arg8[%swap3A_449, %swap3A_450, %swap3A_451] {strides = array<i32>} : memref<4x256x64xf32, #tpu.memory_space<vmem>>, vector<1x1x16xf32>,
        %swap3A_453 = vector.shape_cast %swap3A_452 : vector<1x1x16xf32> to vector<16xf32>
        %swap3A_454 = vector.shape_cast %get3A_244 : vector<16xf32> to vector<1x1x16xf32>
        tpu.vector_store %arg8[%swap3A_449, %swap3A_450, %swap3A_451], %swap3A_454 {add = true, strides = array<i32>} : memref<4x256x64xf32, #tpu.memory_space<vmem>>, vector<1x1x16xf32>,
        %scan3A_455 = arith.constant 5 : i32
        %scan3A_456 = arith.addi %scan3A_307, %scan3A_455 : i32
        %mul3A_457 = arith.constant 1 : i32
        %mul3A_458 = arith.muli %scan3A_456, %mul3A_457 : i32
        %add3A_459 = arith.constant 0 : i32
        %add3A_460 = arith.addi %add3A_459, %mul3A_458 : i32
        %swap3A_461 = arith.index_cast %rem3A_182 : i32 to index
        %swap3A_462 = arith.index_cast %add3A_460 : i32 to index
        %swap3A_463 = arith.constant 0 : index
        %swap3A_464 = tpu.vector_load %arg8[%swap3A_461, %swap3A_462, %swap3A_463] {strides = array<i32>} : memref<4x256x64xf32, #tpu.memory_space<vmem>>, vector<1x1x16xf32>,
        %swap3A_465 = vector.shape_cast %swap3A_464 : vector<1x1x16xf32> to vector<16xf32>
        %swap3A_466 = vector.shape_cast %get3A_232 : vector<16xf32> to vector<1x1x16xf32>
        tpu.vector_store %arg8[%swap3A_461, %swap3A_462, %swap3A_463], %swap3A_466 {add = true, strides = array<i32>} : memref<4x256x64xf32, #tpu.memory_space<vmem>>, vector<1x1x16xf32>,
        %swap3A_467 = arith.index_cast %rem3A_182 : i32 to index
        %swap3A_468 = arith.index_cast %add3A_460 : i32 to index
        %swap3A_469 = arith.constant 16 : index
        %swap3A_470 = tpu.vector_load %arg8[%swap3A_467, %swap3A_468, %swap3A_469] {strides = array<i32>} : memref<4x256x64xf32, #tpu.memory_space<vmem>>, vector<1x1x16xf32>,
        %swap3A_471 = vector.shape_cast %swap3A_470 : vector<1x1x16xf32> to vector<16xf32>
        %swap3A_472 = vector.shape_cast %get3A_236 : vector<16xf32> to vector<1x1x16xf32>
        tpu.vector_store %arg8[%swap3A_467, %swap3A_468, %swap3A_469], %swap3A_472 {add = true, strides = array<i32>} : memref<4x256x64xf32, #tpu.memory_space<vmem>>, vector<1x1x16xf32>,
        %swap3A_473 = arith.index_cast %rem3A_182 : i32 to index
        %swap3A_474 = arith.index_cast %add3A_460 : i32 to index
        %swap3A_475 = arith.constant 32 : index
        %swap3A_476 = tpu.vector_load %arg8[%swap3A_473, %swap3A_474, %swap3A_475] {strides = array<i32>} : memref<4x256x64xf32, #tpu.memory_space<vmem>>, vector<1x1x16xf32>,
        %swap3A_477 = vector.shape_cast %swap3A_476 : vector<1x1x16xf32> to vector<16xf32>
        %swap3A_478 = vector.shape_cast %get3A_240 : vector<16xf32> to vector<1x1x16xf32>
        tpu.vector_store %arg8[%swap3A_473, %swap3A_474, %swap3A_475], %swap3A_478 {add = true, strides = array<i32>} : memref<4x256x64xf32, #tpu.memory_space<vmem>>, vector<1x1x16xf32>,
        %swap3A_479 = arith.index_cast %rem3A_182 : i32 to index
        %swap3A_480 = arith.index_cast %add3A_460 : i32 to index
        %swap3A_481 = arith.constant 48 : index
        %swap3A_482 = tpu.vector_load %arg8[%swap3A_479, %swap3A_480, %swap3A_481] {strides = array<i32>} : memref<4x256x64xf32, #tpu.memory_space<vmem>>, vector<1x1x16xf32>,
        %swap3A_483 = vector.shape_cast %swap3A_482 : vector<1x1x16xf32> to vector<16xf32>
        %swap3A_484 = vector.shape_cast %get3A_244 : vector<16xf32> to vector<1x1x16xf32>
        tpu.vector_store %arg8[%swap3A_479, %swap3A_480, %swap3A_481], %swap3A_484 {add = true, strides = array<i32>} : memref<4x256x64xf32, #tpu.memory_space<vmem>>, vector<1x1x16xf32>,
        %scan3A_485 = arith.constant 6 : i32
        %scan3A_486 = arith.addi %scan3A_307, %scan3A_485 : i32
        %mul3A_487 = arith.constant 1 : i32
        %mul3A_488 = arith.muli %scan3A_486, %mul3A_487 : i32
        %add3A_489 = arith.constant 0 : i32
        %add3A_490 = arith.addi %add3A_489, %mul3A_488 : i32
        %swap3A_491 = arith.index_cast %rem3A_182 : i32 to index
        %swap3A_492 = arith.index_cast %add3A_490 : i32 to index
        %swap3A_493 = arith.constant 0 : index
        %swap3A_494 = tpu.vector_load %arg8[%swap3A_491, %swap3A_492, %swap3A_493] {strides = array<i32>} : memref<4x256x64xf32, #tpu.memory_space<vmem>>, vector<1x1x16xf32>,
        %swap3A_495 = vector.shape_cast %swap3A_494 : vector<1x1x16xf32> to vector<16xf32>
        %swap3A_496 = vector.shape_cast %get3A_232 : vector<16xf32> to vector<1x1x16xf32>
        tpu.vector_store %arg8[%swap3A_491, %swap3A_492, %swap3A_493], %swap3A_496 {add = true, strides = array<i32>} : memref<4x256x64xf32, #tpu.memory_space<vmem>>, vector<1x1x16xf32>,
        %swap3A_497 = arith.index_cast %rem3A_182 : i32 to index
        %swap3A_498 = arith.index_cast %add3A_490 : i32 to index
        %swap3A_499 = arith.constant 16 : index
        %swap3A_500 = tpu.vector_load %arg8[%swap3A_497, %swap3A_498, %swap3A_499] {strides = array<i32>} : memref<4x256x64xf32, #tpu.memory_space<vmem>>, vector<1x1x16xf32>,
        %swap3A_501 = vector.shape_cast %swap3A_500 : vector<1x1x16xf32> to vector<16xf32>
        %swap3A_502 = vector.shape_cast %get3A_236 : vector<16xf32> to vector<1x1x16xf32>
        tpu.vector_store %arg8[%swap3A_497, %swap3A_498, %swap3A_499], %swap3A_502 {add = true, strides = array<i32>} : memref<4x256x64xf32, #tpu.memory_space<vmem>>, vector<1x1x16xf32>,
        %swap3A_503 = arith.index_cast %rem3A_182 : i32 to index
        %swap3A_504 = arith.index_cast %add3A_490 : i32 to index
        %swap3A_505 = arith.constant 32 : index
        %swap3A_506 = tpu.vector_load %arg8[%swap3A_503, %swap3A_504, %swap3A_505] {strides = array<i32>} : memref<4x256x64xf32, #tpu.memory_space<vmem>>, vector<1x1x16xf32>,
        %swap3A_507 = vector.shape_cast %swap3A_506 : vector<1x1x16xf32> to vector<16xf32>
        %swap3A_508 = vector.shape_cast %get3A_240 : vector<16xf32> to vector<1x1x16xf32>
        tpu.vector_store %arg8[%swap3A_503, %swap3A_504, %swap3A_505], %swap3A_508 {add = true, strides = array<i32>} : memref<4x256x64xf32, #tpu.memory_space<vmem>>, vector<1x1x16xf32>,
        %swap3A_509 = arith.index_cast %rem3A_182 : i32 to index
        %swap3A_510 = arith.index_cast %add3A_490 : i32 to index
        %swap3A_511 = arith.constant 48 : index
        %swap3A_512 = tpu.vector_load %arg8[%swap3A_509, %swap3A_510, %swap3A_511] {strides = array<i32>} : memref<4x256x64xf32, #tpu.memory_space<vmem>>, vector<1x1x16xf32>,
        %swap3A_513 = vector.shape_cast %swap3A_512 : vector<1x1x16xf32> to vector<16xf32>
        %swap3A_514 = vector.shape_cast %get3A_244 : vector<16xf32> to vector<1x1x16xf32>
        tpu.vector_store %arg8[%swap3A_509, %swap3A_510, %swap3A_511], %swap3A_514 {add = true, strides = array<i32>} : memref<4x256x64xf32, #tpu.memory_space<vmem>>, vector<1x1x16xf32>,
        %scan3A_515 = arith.constant 7 : i32
        %scan3A_516 = arith.addi %scan3A_307, %scan3A_515 : i32
        %mul3A_517 = arith.constant 1 : i32
        %mul3A_518 = arith.muli %scan3A_516, %mul3A_517 : i32
        %add3A_519 = arith.constant 0 : i32
        %add3A_520 = arith.addi %add3A_519, %mul3A_518 : i32
        %swap3A_521 = arith.index_cast %rem3A_182 : i32 to index
        %swap3A_522 = arith.index_cast %add3A_520 : i32 to index
        %swap3A_523 = arith.constant 0 : index
        %swap3A_524 = tpu.vector_load %arg8[%swap3A_521, %swap3A_522, %swap3A_523] {strides = array<i32>} : memref<4x256x64xf32, #tpu.memory_space<vmem>>, vector<1x1x16xf32>,
        %swap3A_525 = vector.shape_cast %swap3A_524 : vector<1x1x16xf32> to vector<16xf32>
        %swap3A_526 = vector.shape_cast %get3A_232 : vector<16xf32> to vector<1x1x16xf32>
        tpu.vector_store %arg8[%swap3A_521, %swap3A_522, %swap3A_523], %swap3A_526 {add = true, strides = array<i32>} : memref<4x256x64xf32, #tpu.memory_space<vmem>>, vector<1x1x16xf32>,
        %swap3A_527 = arith.index_cast %rem3A_182 : i32 to index
        %swap3A_528 = arith.index_cast %add3A_520 : i32 to index
        %swap3A_529 = arith.constant 16 : index
        %swap3A_530 = tpu.vector_load %arg8[%swap3A_527, %swap3A_528, %swap3A_529] {strides = array<i32>} : memref<4x256x64xf32, #tpu.memory_space<vmem>>, vector<1x1x16xf32>,
        %swap3A_531 = vector.shape_cast %swap3A_530 : vector<1x1x16xf32> to vector<16xf32>
        %swap3A_532 = vector.shape_cast %get3A_236 : vector<16xf32> to vector<1x1x16xf32>
        tpu.vector_store %arg8[%swap3A_527, %swap3A_528, %swap3A_529], %swap3A_532 {add = true, strides = array<i32>} : memref<4x256x64xf32, #tpu.memory_space<vmem>>, vector<1x1x16xf32>,
        %swap3A_533 = arith.index_cast %rem3A_182 : i32 to index
        %swap3A_534 = arith.index_cast %add3A_520 : i32 to index
        %swap3A_535 = arith.constant 32 : index
        %swap3A_536 = tpu.vector_load %arg8[%swap3A_533, %swap3A_534, %swap3A_535] {strides = array<i32>} : memref<4x256x64xf32, #tpu.memory_space<vmem>>, vector<1x1x16xf32>,
        %swap3A_537 = vector.shape_cast %swap3A_536 : vector<1x1x16xf32> to vector<16xf32>
        %swap3A_538 = vector.shape_cast %get3A_240 : vector<16xf32> to vector<1x1x16xf32>
        tpu.vector_store %arg8[%swap3A_533, %swap3A_534, %swap3A_535], %swap3A_538 {add = true, strides = array<i32>} : memref<4x256x64xf32, #tpu.memory_space<vmem>>, vector<1x1x16xf32>,
        %swap3A_539 = arith.index_cast %rem3A_182 : i32 to index
        %swap3A_540 = arith.index_cast %add3A_520 : i32 to index
        %swap3A_541 = arith.constant 48 : index
        %swap3A_542 = tpu.vector_load %arg8[%swap3A_539, %swap3A_540, %swap3A_541] {strides = array<i32>} : memref<4x256x64xf32, #tpu.memory_space<vmem>>, vector<1x1x16xf32>,
        %swap3A_543 = vector.shape_cast %swap3A_542 : vector<1x1x16xf32> to vector<16xf32>
        %swap3A_544 = vector.shape_cast %get3A_244 : vector<16xf32> to vector<1x1x16xf32>
        tpu.vector_store %arg8[%swap3A_539, %swap3A_540, %swap3A_541], %swap3A_544 {add = true, strides = array<i32>} : memref<4x256x64xf32, #tpu.memory_space<vmem>>, vector<1x1x16xf32>,
      }
      %scan3A_249 = arith.constant 256 : i32
      %jit3A_250 = arith.constant 16 : i32
      %div3A_251 = arith.divsi %add3A_181, %jit3A_250 : i32
      %sign3A_252 = arith.constant 0 : i32
      %sign3A_253 = arith.cmpi sgt, %add3A_181, %sign3A_252 : i32
      %sign3A_254 = arith.extui %sign3A_253 : i1 to i32
      %sign3A_255 = arith.constant 0 : i32
      %sign3A_256 = arith.cmpi slt, %add3A_181, %sign3A_255 : i32
      %sign3A_257 = arith.extui %sign3A_256 : i1 to i32
      %sign3A_258 = arith.subi %sign3A_254, %sign3A_257 : i32
      %sign3A_259 = arith.constant 0 : i32
      %sign3A_260 = arith.cmpi sgt, %jit3A_250, %sign3A_259 : i32
      %sign3A_261 = arith.extui %sign3A_260 : i1 to i32
      %sign3A_262 = arith.constant 0 : i32
      %sign3A_263 = arith.cmpi slt, %jit3A_250, %sign3A_262 : i32
      %sign3A_264 = arith.extui %sign3A_263 : i1 to i32
      %sign3A_265 = arith.subi %sign3A_261, %sign3A_264 : i32
      %ne3A_266 = arith.cmpi ne, %sign3A_258, %sign3A_265 : i32
      %rem3A_267 = arith.remsi %add3A_181, %jit3A_250 : i32
      %ne3A_268 = arith.constant 0 : i32
      %ne3A_269 = arith.cmpi ne, %rem3A_267, %ne3A_268 : i32
      %and3A_270 = arith.andi %ne3A_266, %ne3A_269 : i1
      %sub3A_271 = arith.constant 1 : i32
      %sub3A_272 = arith.subi %div3A_251, %sub3A_271 : i32
      %select_n3A_273 = arith.select %and3A_270, %sub3A_272, %div3A_251 : i32
      %jit3A_274 = arith.constant 16 : i32
      %eq3A = arith.constant 0 : i32
      %eq3A_275 = arith.cmpi eq, %jit3A_274, %eq3A : i32
      %jit3A_276 = arith.constant 1 : i32
      %select_n3A_277 = arith.select %eq3A_275, %jit3A_276, %jit3A_274 : i32
      %rem3A_278 = arith.remsi %add3A_181, %select_n3A_277 : i32
      %ne3A_279 = arith.constant 0 : i32
      %ne3A_280 = arith.cmpi ne, %rem3A_278, %ne3A_279 : i32
      %lt3A_281 = arith.constant 0 : i32
      %lt3A_282 = arith.cmpi slt, %rem3A_278, %lt3A_281 : i32
      %lt3A_283 = arith.constant 0 : i32
      %lt3A_284 = arith.cmpi slt, %select_n3A_277, %lt3A_283 : i32
      %ne3A_285 = arith.xori %lt3A_282, %lt3A_284 : i1
      %and3A_286 = arith.andi %ne3A_285, %ne3A_280 : i1
      %add3A_287 = arith.addi %rem3A_278, %select_n3A_277 : i32
      %select_n3A_288 = arith.select %and3A_286, %add3A_287, %rem3A_278 : i32
      %mul3A_289 = arith.constant 256 : i32
      %mul3A_290 = arith.muli %select_n3A_288, %mul3A_289 : i32
      %dma_start3A_291 = arith.constant 0 : i32
      %dma_start3A_292 = arith.constant 0 : i32
      %dma_start3A_293 = tpu.memref_slice %arg8[%rem3A_182, %dma_start3A_291, %dma_start3A_292] : memref<4x256x64xf32, #tpu.memory_space<vmem>> -> memref<1x256x64xf32, #tpu.memory_space<vmem>>
      %dma_start3A_294 = tpu.memref_squeeze %dma_start3A_293 : memref<1x256x64xf32, #tpu.memory_space<vmem>> -> memref<256x64xf32, #tpu.memory_space<vmem>>
      %dma_start3A_295 = arith.constant 0 : i32
      %dma_start3A_296 = tpu.memref_slice %arg5[%mul3A_290, %select_n3A_273, %dma_start3A_295] : memref<4096x200x64xf32, #tpu.memory_space<hbm>> -> memref<256x1x64xf32, #tpu.memory_space<hbm>>
      %dma_start3A_297 = tpu.memref_squeeze %dma_start3A_296 : memref<256x1x64xf32, #tpu.memory_space<hbm>> -> memref<256x64xf32, #tpu.memory_space<hbm>>
      %dma_start3A_298 = tpu.memref_slice %arg10[%rem3A_182] : memref<4x!tpu.dma_semaphore, #tpu.memory_space<semaphore_mem>> -> memref<1x!tpu.dma_semaphore, #tpu.memory_space<semaphore_mem>>
      %dma_start3A_299 = tpu.memref_squeeze %dma_start3A_298 : memref<1x!tpu.dma_semaphore, #tpu.memory_space<semaphore_mem>> -> memref<!tpu.dma_semaphore, #tpu.memory_space<semaphore_mem>>
      %dma_start3A_300 = arith.constant 0 : i32
      %dma_start3A_301 = tpu.memref_slice %arg5[%mul3A_290, %select_n3A_273, %dma_start3A_300] : memref<4096x200x64xf32, #tpu.memory_space<hbm>> -> memref<256x1x64xf32, #tpu.memory_space<hbm>>
      %dma_start3A_302 = tpu.memref_squeeze %dma_start3A_301 : memref<256x1x64xf32, #tpu.memory_space<hbm>> -> memref<256x64xf32, #tpu.memory_space<hbm>>
      %dma_start3A_303 = arith.constant 0 : i32
      %dma_start3A_304 = arith.constant 0 : i32
      %dma_start3A_305 = tpu.memref_slice %arg8[%rem3A_182, %dma_start3A_303, %dma_start3A_304] : memref<4x256x64xf32, #tpu.memory_space<vmem>> -> memref<1x256x64xf32, #tpu.memory_space<vmem>>
      %dma_start3A_306 = tpu.memref_squeeze %dma_start3A_305 : memref<1x256x64xf32, #tpu.memory_space<vmem>> -> memref<256x64xf32, #tpu.memory_space<vmem>>
      tpu.enqueue_dma source(%dma_start3A_306 : memref<256x64xf32, #tpu.memory_space<vmem>>) target(%dma_start3A_302 : memref<256x64xf32, #tpu.memory_space<hbm>>) target_semaphore(%dma_start3A_299 : memref<!tpu.dma_semaphore, #tpu.memory_space<semaphore_mem>>)
    }
    %scan3A_92 = arith.constant 100 : i32
    %dma_wait3A = arith.constant 3 : i32
    %dma_wait3A_93 = arith.constant 0 : i32
    %dma_wait3A_94 = arith.constant 3 : i32
    %dma_wait3A_95 = arith.constant 0 : i32
    %dma_wait3A_96 = arith.constant 0 : i32
    %dma_wait3A_97 = tpu.memref_slice %arg8[%dma_wait3A, %dma_wait3A_95, %dma_wait3A_96] : memref<4x256x64xf32, #tpu.memory_space<vmem>> -> memref<1x256x64xf32, #tpu.memory_space<vmem>>
    %dma_wait3A_98 = tpu.memref_squeeze %dma_wait3A_97 : memref<1x256x64xf32, #tpu.memory_space<vmem>> -> memref<256x64xf32, #tpu.memory_space<vmem>>
    %dma_wait3A_99 = arith.constant 0 : i32
    %dma_wait3A_100 = arith.constant 0 : i32
    %dma_wait3A_101 = tpu.memref_slice %arg5[%dma_wait3A_99, %dma_wait3A_93, %dma_wait3A_100] : memref<4096x200x64xf32, #tpu.memory_space<hbm>> -> memref<256x1x64xf32, #tpu.memory_space<hbm>>
    %dma_wait3A_102 = tpu.memref_squeeze %dma_wait3A_101 : memref<256x1x64xf32, #tpu.memory_space<hbm>> -> memref<256x64xf32, #tpu.memory_space<hbm>>
    %dma_wait3A_103 = tpu.memref_slice %arg10[%dma_wait3A_94] : memref<4x!tpu.dma_semaphore, #tpu.memory_space<semaphore_mem>> -> memref<1x!tpu.dma_semaphore, #tpu.memory_space<semaphore_mem>>
    %dma_wait3A_104 = tpu.memref_squeeze %dma_wait3A_103 : memref<1x!tpu.dma_semaphore, #tpu.memory_space<semaphore_mem>> -> memref<!tpu.dma_semaphore, #tpu.memory_space<semaphore_mem>>
    %dma_wait3A_105 = arith.constant 0 : i32
    %dma_wait3A_106 = arith.constant 0 : i32
    %dma_wait3A_107 = tpu.memref_slice %arg5[%dma_wait3A_105, %dma_wait3A_93, %dma_wait3A_106] : memref<4096x200x64xf32, #tpu.memory_space<hbm>> -> memref<256x1x64xf32, #tpu.memory_space<hbm>>
    %dma_wait3A_108 = tpu.memref_squeeze %dma_wait3A_107 : memref<256x1x64xf32, #tpu.memory_space<hbm>> -> memref<256x64xf32, #tpu.memory_space<hbm>>
    %dma_wait3A_109 = arith.constant 0 : i32
    %dma_wait3A_110 = arith.constant 0 : i32
    %dma_wait3A_111 = tpu.memref_slice %arg8[%dma_wait3A, %dma_wait3A_109, %dma_wait3A_110] : memref<4x256x64xf32, #tpu.memory_space<vmem>> -> memref<1x256x64xf32, #tpu.memory_space<vmem>>
    %dma_wait3A_112 = tpu.memref_squeeze %dma_wait3A_111 : memref<1x256x64xf32, #tpu.memory_space<vmem>> -> memref<256x64xf32, #tpu.memory_space<vmem>>
    tpu.wait_dma2 semaphore(%dma_wait3A_104 : memref<!tpu.dma_semaphore, #tpu.memory_space<semaphore_mem>>) src(%dma_wait3A_112 : memref<256x64xf32, #tpu.memory_space<vmem>>) dst(%dma_wait3A_108 : memref<256x64xf32, #tpu.memory_space<hbm>>)
    %dma_wait3A_113 = arith.constant 2 : i32
    %dma_wait3A_114 = arith.constant 0 : i32
    %dma_wait3A_115 = arith.constant 2 : i32
    %dma_wait3A_116 = arith.constant 0 : i32
    %dma_wait3A_117 = arith.constant 0 : i32
    %dma_wait3A_118 = tpu.memref_slice %arg8[%dma_wait3A_113, %dma_wait3A_116, %dma_wait3A_117] : memref<4x256x64xf32, #tpu.memory_space<vmem>> -> memref<1x256x64xf32, #tpu.memory_space<vmem>>
    %dma_wait3A_119 = tpu.memref_squeeze %dma_wait3A_118 : memref<1x256x64xf32, #tpu.memory_space<vmem>> -> memref<256x64xf32, #tpu.memory_space<vmem>>
    %dma_wait3A_120 = arith.constant 0 : i32
    %dma_wait3A_121 = arith.constant 0 : i32
    %dma_wait3A_122 = tpu.memref_slice %arg5[%dma_wait3A_120, %dma_wait3A_114, %dma_wait3A_121] : memref<4096x200x64xf32, #tpu.memory_space<hbm>> -> memref<256x1x64xf32, #tpu.memory_space<hbm>>
    %dma_wait3A_123 = tpu.memref_squeeze %dma_wait3A_122 : memref<256x1x64xf32, #tpu.memory_space<hbm>> -> memref<256x64xf32, #tpu.memory_space<hbm>>
    %dma_wait3A_124 = tpu.memref_slice %arg10[%dma_wait3A_115] : memref<4x!tpu.dma_semaphore, #tpu.memory_space<semaphore_mem>> -> memref<1x!tpu.dma_semaphore, #tpu.memory_space<semaphore_mem>>
    %dma_wait3A_125 = tpu.memref_squeeze %dma_wait3A_124 : memref<1x!tpu.dma_semaphore, #tpu.memory_space<semaphore_mem>> -> memref<!tpu.dma_semaphore, #tpu.memory_space<semaphore_mem>>
    %dma_wait3A_126 = arith.constant 0 : i32
    %dma_wait3A_127 = arith.constant 0 : i32
    %dma_wait3A_128 = tpu.memref_slice %arg5[%dma_wait3A_126, %dma_wait3A_114, %dma_wait3A_127] : memref<4096x200x64xf32, #tpu.memory_space<hbm>> -> memref<256x1x64xf32, #tpu.memory_space<hbm>>
    %dma_wait3A_129 = tpu.memref_squeeze %dma_wait3A_128 : memref<256x1x64xf32, #tpu.memory_space<hbm>> -> memref<256x64xf32, #tpu.memory_space<hbm>>
    %dma_wait3A_130 = arith.constant 0 : i32
    %dma_wait3A_131 = arith.constant 0 : i32
    %dma_wait3A_132 = tpu.memref_slice %arg8[%dma_wait3A_113, %dma_wait3A_130, %dma_wait3A_131] : memref<4x256x64xf32, #tpu.memory_space<vmem>> -> memref<1x256x64xf32, #tpu.memory_space<vmem>>
    %dma_wait3A_133 = tpu.memref_squeeze %dma_wait3A_132 : memref<1x256x64xf32, #tpu.memory_space<vmem>> -> memref<256x64xf32, #tpu.memory_space<vmem>>
    tpu.wait_dma2 semaphore(%dma_wait3A_125 : memref<!tpu.dma_semaphore, #tpu.memory_space<semaphore_mem>>) src(%dma_wait3A_133 : memref<256x64xf32, #tpu.memory_space<vmem>>) dst(%dma_wait3A_129 : memref<256x64xf32, #tpu.memory_space<hbm>>)
    %dma_wait3A_134 = arith.constant 1 : i32
    %dma_wait3A_135 = arith.constant 0 : i32
    %dma_wait3A_136 = arith.constant 1 : i32
    %dma_wait3A_137 = arith.constant 0 : i32
    %dma_wait3A_138 = arith.constant 0 : i32
    %dma_wait3A_139 = tpu.memref_slice %arg8[%dma_wait3A_134, %dma_wait3A_137, %dma_wait3A_138] : memref<4x256x64xf32, #tpu.memory_space<vmem>> -> memref<1x256x64xf32, #tpu.memory_space<vmem>>
    %dma_wait3A_140 = tpu.memref_squeeze %dma_wait3A_139 : memref<1x256x64xf32, #tpu.memory_space<vmem>> -> memref<256x64xf32, #tpu.memory_space<vmem>>
    %dma_wait3A_141 = arith.constant 0 : i32
    %dma_wait3A_142 = arith.constant 0 : i32
    %dma_wait3A_143 = tpu.memref_slice %arg5[%dma_wait3A_141, %dma_wait3A_135, %dma_wait3A_142] : memref<4096x200x64xf32, #tpu.memory_space<hbm>> -> memref<256x1x64xf32, #tpu.memory_space<hbm>>
    %dma_wait3A_144 = tpu.memref_squeeze %dma_wait3A_143 : memref<256x1x64xf32, #tpu.memory_space<hbm>> -> memref<256x64xf32, #tpu.memory_space<hbm>>
    %dma_wait3A_145 = tpu.memref_slice %arg10[%dma_wait3A_136] : memref<4x!tpu.dma_semaphore, #tpu.memory_space<semaphore_mem>> -> memref<1x!tpu.dma_semaphore, #tpu.memory_space<semaphore_mem>>
    %dma_wait3A_146 = tpu.memref_squeeze %dma_wait3A_145 : memref<1x!tpu.dma_semaphore, #tpu.memory_space<semaphore_mem>> -> memref<!tpu.dma_semaphore, #tpu.memory_space<semaphore_mem>>
    %dma_wait3A_147 = arith.constant 0 : i32
    %dma_wait3A_148 = arith.constant 0 : i32
    %dma_wait3A_149 = tpu.memref_slice %arg5[%dma_wait3A_147, %dma_wait3A_135, %dma_wait3A_148] : memref<4096x200x64xf32, #tpu.memory_space<hbm>> -> memref<256x1x64xf32, #tpu.memory_space<hbm>>
    %dma_wait3A_150 = tpu.memref_squeeze %dma_wait3A_149 : memref<256x1x64xf32, #tpu.memory_space<hbm>> -> memref<256x64xf32, #tpu.memory_space<hbm>>
    %dma_wait3A_151 = arith.constant 0 : i32
    %dma_wait3A_152 = arith.constant 0 : i32
    %dma_wait3A_153 = tpu.memref_slice %arg8[%dma_wait3A_134, %dma_wait3A_151, %dma_wait3A_152] : memref<4x256x64xf32, #tpu.memory_space<vmem>> -> memref<1x256x64xf32, #tpu.memory_space<vmem>>
    %dma_wait3A_154 = tpu.memref_squeeze %dma_wait3A_153 : memref<1x256x64xf32, #tpu.memory_space<vmem>> -> memref<256x64xf32, #tpu.memory_space<vmem>>
    tpu.wait_dma2 semaphore(%dma_wait3A_146 : memref<!tpu.dma_semaphore, #tpu.memory_space<semaphore_mem>>) src(%dma_wait3A_154 : memref<256x64xf32, #tpu.memory_space<vmem>>) dst(%dma_wait3A_150 : memref<256x64xf32, #tpu.memory_space<hbm>>)
    %dma_wait3A_155 = arith.constant 0 : i32
    %dma_wait3A_156 = arith.constant 0 : i32
    %dma_wait3A_157 = arith.constant 0 : i32
    %dma_wait3A_158 = arith.constant 0 : i32
    %dma_wait3A_159 = arith.constant 0 : i32
    %dma_wait3A_160 = tpu.memref_slice %arg8[%dma_wait3A_155, %dma_wait3A_158, %dma_wait3A_159] : memref<4x256x64xf32, #tpu.memory_space<vmem>> -> memref<1x256x64xf32, #tpu.memory_space<vmem>>
    %dma_wait3A_161 = tpu.memref_squeeze %dma_wait3A_160 : memref<1x256x64xf32, #tpu.memory_space<vmem>> -> memref<256x64xf32, #tpu.memory_space<vmem>>
    %dma_wait3A_162 = arith.constant 0 : i32
    %dma_wait3A_163 = arith.constant 0 : i32
    %dma_wait3A_164 = tpu.memref_slice %arg5[%dma_wait3A_162, %dma_wait3A_156, %dma_wait3A_163] : memref<4096x200x64xf32, #tpu.memory_space<hbm>> -> memref<256x1x64xf32, #tpu.memory_space<hbm>>
    %dma_wait3A_165 = tpu.memref_squeeze %dma_wait3A_164 : memref<256x1x64xf32, #tpu.memory_space<hbm>> -> memref<256x64xf32, #tpu.memory_space<hbm>>
    %dma_wait3A_166 = tpu.memref_slice %arg10[%dma_wait3A_157] : memref<4x!tpu.dma_semaphore, #tpu.memory_space<semaphore_mem>> -> memref<1x!tpu.dma_semaphore, #tpu.memory_space<semaphore_mem>>
    %dma_wait3A_167 = tpu.memref_squeeze %dma_wait3A_166 : memref<1x!tpu.dma_semaphore, #tpu.memory_space<semaphore_mem>> -> memref<!tpu.dma_semaphore, #tpu.memory_space<semaphore_mem>>
    %dma_wait3A_168 = arith.constant 0 : i32
    %dma_wait3A_169 = arith.constant 0 : i32
    %dma_wait3A_170 = tpu.memref_slice %arg5[%dma_wait3A_168, %dma_wait3A_156, %dma_wait3A_169] : memref<4096x200x64xf32, #tpu.memory_space<hbm>> -> memref<256x1x64xf32, #tpu.memory_space<hbm>>
    %dma_wait3A_171 = tpu.memref_squeeze %dma_wait3A_170 : memref<256x1x64xf32, #tpu.memory_space<hbm>> -> memref<256x64xf32, #tpu.memory_space<hbm>>
    %dma_wait3A_172 = arith.constant 0 : i32
    %dma_wait3A_173 = arith.constant 0 : i32
    %dma_wait3A_174 = tpu.memref_slice %arg8[%dma_wait3A_155, %dma_wait3A_172, %dma_wait3A_173] : memref<4x256x64xf32, #tpu.memory_space<vmem>> -> memref<1x256x64xf32, #tpu.memory_space<vmem>>
    %dma_wait3A_175 = tpu.memref_squeeze %dma_wait3A_174 : memref<1x256x64xf32, #tpu.memory_space<vmem>> -> memref<256x64xf32, #tpu.memory_space<vmem>>
    tpu.wait_dma2 semaphore(%dma_wait3A_167 : memref<!tpu.dma_semaphore, #tpu.memory_space<semaphore_mem>>) src(%dma_wait3A_175 : memref<256x64xf32, #tpu.memory_space<vmem>>) dst(%dma_wait3A_171 : memref<256x64xf32, #tpu.memory_space<hbm>>)
    return
  }
}

</mosaic_0001>

<sc_bundles>
// kernel: kernel.3.cloned.1.call-start
scs
__scs_entry_jumppad:
0x0: {  	(pc) =	sbr.rel $0x88, $3  }
0x1: {  	(tag) =	ssettag $0x0;
	lr =	simm.s32 $0x1  }
0x2: {  	[smem:$0x3F9E] =	sst lr;
	_ =	strace $0xD0000000  }
0x3: {  	_ = 	snop  }
0x4: {  	_ = 	snop  }
0x5: {  	_ = 	snop  }
0x6: {  	_ = 	snop  }
0x7: {  	_ = 	snop  }
__scs_overlays_trampoline_lowered:
0x8: {  	[smem:$0x3FAD] =	sst s0  }
0x9: {  	[smem:$0x3FAE] =	sst s1  }
0xa: {  	[smem:$0x3FAF] =	sst s2  }
0xb: {  	[smem:$0x3FB0] =	sst s3  }
0xc: {  	[smem:$0x3FB1] =	sst s4  }
0xd: {  	[smem:$0x3FB2] =	sst s5  }
0xe: {  	[smem:$0x3FB3] =	sst s6  }
0xf: {  	[smem:$0x3FB4] =	sst s7  }
0x10: {  	[smem:$0x3FB5] =	sst s8  }
0x11: {  	[smem:$0x3FB6] =	sst s9;
	s0 =	simm.s32 @!p0 $0x0  }
0x12: {  	s1 =	sld [smem:$0x3F9C];
	s0 =	simm.s32 @p0 $0x1  }
0x13: {  	[smem:$0x3FB7] =	sst s0;
	s0 =	simm.s32 @!p1 $0x0  }
0x14: {  	s2 =	sld [smem:$0x3F9B];
	s0 =	simm.s32 @p1 $0x1  }
0x15: {  	[smem:$0x3FB8] =	sst s0;
	s0 =	simm.s32 @!p2 $0x0  }
0x16: {  	s3 =	sld [smem:$0x3FDB];
	s0 =	simm.s32 @p2 $0x1  }
0x17: {  	s4 =	simm.s32 $0x1BF5;
	[smem:$0x3FBA] =	sst s0  }
0x18: {  	s0 =	sld [smem:$0x3F9D];
	_ =	swait.ge [sflag:s4], $0x0  }
0x19: {  	s7 =	sld [smem:$0x3F9E]  }
0x1a: {  	s8 =	sadd.s32 $0xFFFFE003, lr  }
0x1b: {  	s9 =	sadd.s32 $0xFFFFFEF7, lr;
	s5 =	simm.s32 $0xFFFFFFFF;
	p2 =	slt.u32 s8, $0xFFFFF086  }
0x1c: {  	p1 =	slt.u32 s9, $0xF7A;
	s5 =	simm.s32 @!p2 $0x0  }
0x1d: {  	s5 =	simm.s32 @p1 $0x1;
	p0 =	seq.s32 s7, s2  }
0x1e: {  	s7 =	smul.u32 @!p0 $0xF7A, s2;
	p2 =	seq.s32 @!p0 s5, $0x0  }
0x1f: {  	s9 =	smul.u32 $0xF7A, s1;
	s8 =	simm.s32 @!p0 $0x1BF5;
	p2 =	por !p2, p0  }
0x20: {  	[sflag:s8] =	ssyncset.s32 @!p0 $0xFFFFF086;
	s6 =	sadd.s32 @!p0 s3, s7;
	s7 =	simm.s32 @!p0 $0x108  }
0x21: {  	s3 =	sadd.s32 s3, s9;
	s6 =	sadd.s32 @!p0 $0x88, s6;
	s7 =	simm.s32 @p2 $0x1082  }
0x22: {  	[simem:s7], [sflag:s8] =	dma.local @!p0 [hbm:s6], $0xF7A  }
0x23: {  	s9 =	sor.u32 $0xD0000000, s2;
	s6 =	simm.s32 $0x108;
	_ =	swait.ge @!p0 [sflag:s8], $0x0  }
0x24: {  	s3 =	sadd.s32 $0x88, s3;
	s6 =	simm.s32 @!p1 $0x1082;
	[sflag:s4] =	ssyncset.s32 $0xFFFFF086  }
0x25: {  	[simem:s6], [sflag:s4] =	dma.local [hbm:s3], $0xF7A  }
0x26: {  	[smem:$0x3F9E] =	sst s1;
	(tag) =	ssettag s2;
	_ =	strace s9  }
0x27: {  	s1 =	sld [smem:$0x3FAE]  }
0x28: {  	s2 =	sld [smem:$0x3FAF]  }
0x29: {  	s4 =	sld [smem:$0x3FB1]  }
0x2a: {  	p0 =	seq.s32 s5, $0x0;
	s5 =	sld [smem:$0x3FB2]  }
0x2b: {  	s6 =	sld [smem:$0x3FB3]  }
0x2c: {  	s7 =	sld [smem:$0x3FB4]  }
0x2d: {  	s3 =	simm.s32 $0x108;
	s8 =	sld [smem:$0x3FB5]  }
0x2e: {  	s3 =	simm.s32 @!p0 $0x1082;
	s9 =	sld [smem:$0x3FB6]  }
0x2f: {  	lr =	sadd.s32 s0, s3;
	s0 =	sld [smem:$0x3FAD]  }
0x30: {  	s3 =	sld [smem:$0x3FB0]  }
0x31: {  	[smem:$0x3FB9] =	sst s10  }
0x32: {  	s10 =	sld [smem:$0x3FB7];
	_ =	sdelay $0x3  }
0x33: {  	p0 =	seq.s32 s10, $0x1;
	s10 =	sld [smem:$0x3FB9];
	_ =	sdelay $0x3  }
0x34: {  	[smem:$0x3FB9] =	sst s10  }
0x35: {  	s10 =	sld [smem:$0x3FB8];
	_ =	sdelay $0x3  }
0x36: {  	p1 =	seq.s32 s10, $0x1;
	s10 =	sld [smem:$0x3FB9];
	_ =	sdelay $0x3  }
0x37: {  	[smem:$0x3FB9] =	sst s10  }
0x38: {  	s10 =	sld [smem:$0x3FBA]  }
0x39: {  	_ = 	snop;
	(pc) =	sbr.ind lr, $3  }
0x3a: {  	_ = 	snop  }
0x3b: {  	_ = 	snop  }
0x3c: {  	p2 =	seq.s32 s10, $0x1;
	s10 =	sld [smem:$0x3FB9]  }
0x3d: {  	_ =	shalt  }
0x3e: {  	_ =	shalt  }
0x3f: {  	_ =	shalt  }
0x40: {  	_ =	shalt  }
0x41: {  	_ =	shalt  }
0x42: {  	_ =	shalt  }
0x43: {  	_ =	shalt  }
0x44: {  	_ =	shalt  }
0x45: {  	_ =	shalt  }
0x46: {  	_ =	shalt  }
0x47: {  	_ =	shalt  }
0x48: {  	_ =	shalt  }
0x49: {  	_ =	shalt  }
0x4a: {  	_ =	shalt  }
0x4b: {  	_ =	shalt  }
0x4c: {  	_ =	shalt  }
0x4d: {  	_ =	shalt  }
0x4e: {  	_ =	shalt  }
0x4f: {  	_ =	shalt  }
0x50: {  	_ =	shalt  }
0x51: {  	_ =	shalt  }
0x52: {  	_ =	shalt  }
0x53: {  	_ =	shalt  }
0x54: {  	_ =	shalt  }
0x55: {  	_ =	shalt  }
0x56: {  	_ =	shalt  }
0x57: {  	_ =	shalt  }
0x58: {  	_ =	shalt  }
0x59: {  	_ =	shalt  }
0x5a: {  	_ =	shalt  }
0x5b: {  	_ =	shalt  }
0x5c: {  	_ =	shalt  }
0x5d: {  	_ =	shalt  }
0x5e: {  	_ =	shalt  }
0x5f: {  	_ =	shalt  }
0x60: {  	_ =	shalt  }
0x61: {  	_ =	shalt  }
0x62: {  	_ =	shalt  }
0x63: {  	_ =	shalt  }
0x64: {  	_ =	shalt  }
0x65: {  	_ =	shalt  }
0x66: {  	_ =	shalt  }
0x67: {  	_ =	shalt  }
0x68: {  	_ =	shalt  }
0x69: {  	_ =	shalt  }
0x6a: {  	_ =	shalt  }
0x6b: {  	_ =	shalt  }
0x6c: {  	_ =	shalt  }
0x6d: {  	_ =	shalt  }
0x6e: {  	_ =	shalt  }
0x6f: {  	_ =	shalt  }
0x70: {  	_ =	shalt  }
0x71: {  	_ =	shalt  }
0x72: {  	_ =	shalt  }
0x73: {  	_ =	shalt  }
0x74: {  	_ =	shalt  }
0x75: {  	_ =	shalt  }
0x76: {  	_ =	shalt  }
0x77: {  	_ =	shalt  }
0x78: {  	_ =	shalt  }
0x79: {  	_ =	shalt  }
0x7a: {  	_ =	shalt  }
0x7b: {  	_ =	shalt  }
0x7c: {  	_ =	shalt  }
0x7d: {  	_ =	shalt  }
0x7e: {  	_ =	shalt  }
0x7f: {  	_ =	shalt  }
0x80: {  	_ =	shalt  }
0x81: {  	_ =	shalt  }
0x82: {  	_ =	shalt  }
0x83: {  	_ =	shalt  }
0x84: {  	_ =	shalt  }
0x85: {  	_ =	shalt  }
0x86: {  	_ =	shalt  }
0x87: {  	_ =	shalt  }
.Lfunc_end0:
.L_simem_size_0:
called_computation.1_lowered:
.L_overlay_start_0:
0x88: {  	s2 =	sld [smem:$0x3FD9]  }
0x89: {  	s3 =	sld [smem:$0x3FFE];
	_ =	sdelay $0x1  }
0x8a: {  	s1 =	srdreg.scid  }
0x8b: {  	s0 =	sand.u32 $0x1, s1  }
0x8c: {  	s17 =	sshll.u32 s0, $0xA;
	s2 =	sadd.s32 s3, s2  }
0x8d: {  	s2 =	sadd.s32 s2, s17  }
0x8e: {  	[smem:$0x3FC5] =	sst s2  }
0x8f: {  	_ = 	snop  }
0x90: {  	s2 =	sld [smem:$0x3FD0];
	(tm) =	ssettm $0x1  }
0x91: {  	s18 =	sld [smem:$0x3FFB];
	_ =	sdelay $0x3  }
0x92: {  	_ =	strace s18  }
0x93: {  	s3 =	sld [smem:$0x3FFC];
	_ =	sdelay $0x3  }
0x94: {  	_ =	strace s3  }
0x95: {  	s3 =	sld [smem:$0x3FFD];
	_ =	sdelay $0x3  }
0x96: {  	_ =	strace s3  }
0x97: {  	_ =	strace $0x8FFFFFFF  }
0x98: {  	s19 =	sld [smem:$0x3FDB];
	_ =	sdelay $0x1  }
0x99: {  	s4 =	simm.s32 $_scs_section_size  }
0x9a: {  	s5 =	simm.s32 $_size__tile_overlayer_lowered;
	s6 =	simm.s32 $_tile_overlayer_lowered  }
0x9b: {  	s22 =	simm.s32 $0x1BFF;
	s21 =	sshll.u32 s6, $0x1;
	s3 =	sadd.s32 s4, s19  }
0x9c: {  	s7 =	simm.s32 $0x0;
	s20 =	sshll.u32 s5, $0x1;
	s5 =	sadd.s32 s21, s3  }
0x9d: {  	[timem:s7], [sflag:s22] =	dma.local [hbm:s5], s20  }
0x9e: {  	_ =	swait.ge [sflag:s22], s20  }
0x9f: {  	s4 =	ssub.s32 $0x0, s20;
	[sflag:s22] =	ssyncset.done $0x0  }
0xa0: {  	[sflag:s22] =	ssyncadd.s32 s4;
	_ =	sdelay $0x1  }
0xa1: {  	s23 =	simm.s32 $0x1B8B  }
0xa2: {  	_ =	swait.ge [sflag:s23], $0x1  }
0xa3: {  	[sflag:s23] =	ssyncset.done $0x0  }
0xa4: {  	s25 =	simm.s32 $0x1B8E;
	s24 =	sld [smem:$0x3FFE];
	[sflag:s23] =	ssyncadd.s32 $0xFFFFFFFF  }
0xa5: {  	s26 =	simm.s32 $execute0_lowered;
	[smem:$0x3FD2] =	sst s25  }
0xa6: {  	s5 =	sshll.u32 s26, $0x1;
	_ =	strace $0x80000046;
	[dreg:$0x1] =	wrdreg $0xFFFFFFFF  }
0xa7: {  	s28 =	simm.s32 $_size_execute0_lowered;
	s3 =	sadd.s32 s3, s5;
	[dreg:$0x0] =	wrdreg $0x0  }
0xa8: {  	s5 =	sshll.u32 s28, $0x1;
	[dreg:$0x2] =	wrdreg s3  }
0xa9: {  	[dreg:$0x3] =	wrdreg s5  }
0xaa: {  	[dreg:$0x4] =	wrdreg $0xC0  }
0xab: {  	_ =	task [dreg:s7], $0x5FFFF  }
0xac: {  	[dreg:$0x1] =	wrdreg $0xFFFFFFFF  }
0xad: {  	[dreg:$0x0] =	wrdreg $0x60  }
0xae: {  	[dreg:$0x2] =	wrdreg s24  }
0xaf: {  	[dreg:$0x3] =	wrdreg s2  }
0xb0: {  	[dreg:$0x4] =	wrdreg $0x9  }
0xb1: {  	_ =	task.clear_ibuf [dreg:s7], $0x5FFFF;
	_ =	strace $0x90000046  }
0xb2: {  	s29 =	simm.s32 $0x9;
	_ =	strace $0x80000048  }
0xb3: {  	_ =	swait.ge [sflag:s29], $0x1  }
0xb4: {  	[sflag:s29] =	ssyncadd.s32 $0xFFFFFFFF  }
0xb5: {  	_ =	strace $0x90000048  }
0xb6: {  	_ =	sfence  }
0xb7: {  	s30 =	sld [smem:$0x0];
	_ =	sdelay $0x2  }
0xb8: {  	s31 =	sshll.u32 s1, $0xD;
	s1 =	sshrl.u32 s1, $0x2  }
0xb9: {  	s3 =	sand.u32 $0x4000, s31;
	s1 =	sadd.s32 s1, s30  }
0xba: {  	s0 =	sor.u32 s3, s0;
	s1 =	sshll.u32 s1, $0x11  }
0xbb: {  	s0 =	sor.u32 s1, s0  }
0xbc: {  	s0 =	sadd.s32 $0x8F2B, s0  }
0xbd: {  	[sflag:s0] =	ssyncadd.remote.s32 $0x1  }
0xbe: {  	_ =	sfence.sel $0xFFFF  }
0xbf: {  	[dreg:$0x0] =	wrdreg $0xFFFFFFFF;
	(pc) =	sbr.abs _section_cstart, $3  }
0xc0: {  	[dreg:$0x1] =	wrdreg $0xFFFFFFFF  }
0xc1: {  	_ =	task.clear_ibuf [dreg:s7], $0x2FFFF;
	_ =	strace $0x9FFFFFFF  }
0xc2: {  	(tm) =	ssettm $0x7FFFFFFF  }
0xc3: {  	_ =	shalt  }
tec
execute0_lowered:
.L_overlay_start_1:
0x0: {  	(tag) =	ssettag $0x1  }
0x1: {  	s0 =	rddreg [dreg:$0x0]  }
0x2: {  	s2 =	rddreg [dreg:$0x1]  }
0x3: {  	s1 =	srdreg.scid;
	s4 =	stileid.u32  }
0x4: {  	s3 =	simm.s32 $0x0;
	s13 =	simm.s32 $0x9;
	s14 =	simm.s32 $0x3200  }
0x5: {  	s15 =	simm.s32 $0x3280;
	s16 =	simm.s32 $0x80;
	s19 =	simm.s32 $0x3300  }
0x6: {  	s20 =	simm.s32 $0x3380;
	s23 =	simm.s32 $0x40;
	s24 =	simm.s32 $0x8  }
0x7: {  	s25 =	simm.s32 $0x7;
	s26 =	simm.s32 $0x6;
	s28 =	simm.s32 $0x5  }
0x8: {  	s29 =	simm.s32 $0x0;
	s1 =	sand.u32 $0x1, s1;
	s4 =	sshll.u32 s4, $0x1  }
0x9: {  	[smem:$0x7FF] =	sst s3;
	s5 =	sadd.s32 $0x1A000, s0;
	s8 =	sor.u32 s1, s4  }
0xa: {  	_ =	strace $0x80000047;
	s1 =	ssub.s32 $0x2, s1;
	s7 =	smul.u32 $0xC80, s8  }
0xb: {  	s4 =	sadd.s32 $0x1000, s0;
	s0 =	sadd.s32 $0x800, s0;
	s9 =	sshrl.u32 s1, $0x1  }
0xc: {  	[dreg:$0x3] =	wrdreg s0;
	s30 =	ssub.s32 s1, s9;
	s7 =	sadd.s32 s4, s7  }
0xd: {  	s8 =	smul.u32 $0x64, s8;
	s12 =	smax.u32 s30, $0x1;
	s31 =	sadd.s32 $0x10, s7  }
0xe: {  	s10 =	sadd.s32 $0x20, s7;
	s11 =	sadd.s32 $0x30, s7;
	[dreg:$0x4] =	wrdreg s31  }
.LBB2_1:
0xf: {  	s0 =	rddreg [dreg:$0x3]  }
0x10: {  	[tilespmem:s3], [sflag:$0x9] =	stream.linear.gather [hbm4b:s0+s3], $0x3200, $0x38;
	[tilespmem:$0x13600] =	vst v63  }
0x11: {  	_ =	swait.ge [sflag:s13], $0x3200  }
0x12: {  	[sflag:s13] =	ssyncset.done $0x0  }
0x13: {  	[sflag:s13] =	ssyncadd.s32 $0xFFFFCE00  }
0x14: {  	[tilespmem:s14], [sflag:$0x9] =	stream.linear.gather [hbm4b:s7+s3], $0x80, $0x38;
	[tilespmem:$0x13600] =	vst v63  }
0x15: {  	_ =	swait.ge [sflag:s13], $0x80  }
0x16: {  	[sflag:s13] =	ssyncset.done $0x0  }
0x17: {  	s9 =	rddreg [dreg:$0x4];
	[sflag:s13] =	ssyncadd.s32 $0xFFFFFF80  }
0x18: {  	[tilespmem:s15], [sflag:$0x9] =	stream.linear.gather [hbm4b:s9+s3], $0x80, $0x38;
	[tilespmem:$0x13600] =	vst v63  }
0x19: {  	_ =	swait.ge [sflag:s13], $0x80  }
0x1a: {  	[sflag:s13] =	ssyncset.done $0x0  }
0x1b: {  	s17 =	simm.s32 $0x3600;
	[sflag:s13] =	ssyncadd.s32 $0xFFFFFF80  }
0x1c: {  	[tilespmem:s17], [sflag:$0x1] =	stream.indirect.gather [hbm4b:s5+s16], $0x40, s14, s16, $0xb8;
	[tilespmem:$0x13600] =	vst v63  }
0x1d: {  	s18 =	simm.s32 $0x5600  }
0x1e: {  	[tilespmem:s18], [sflag:$0x1] =	stream.indirect.gather [hbm4b:s5+s16], $0x40, s15, s16, $0xb8;
	[tilespmem:$0x13600] =	vst v63  }
0x1f: {  	_ = 	snop  }
0x20: {  	[tilespmem:s19], [sflag:$0x9] =	stream.linear.gather [hbm4b:s10+s3], $0x80, $0x38;
	[tilespmem:$0x13600] =	vst v63  }
0x21: {  	_ =	swait.ge [sflag:s13], $0x80  }
0x22: {  	[sflag:s13] =	ssyncset.done $0x0  }
0x23: {  	[sflag:s13] =	ssyncadd.s32 $0xFFFFFF80  }
0x24: {  	[tilespmem:s20], [sflag:$0x9] =	stream.linear.gather [hbm4b:s11+s3], $0x80, $0x38;
	[tilespmem:$0x13600] =	vst v63  }
0x25: {  	_ =	swait.ge [sflag:s13], $0x80  }
0x26: {  	[sflag:s13] =	ssyncset.done $0x0  }
0x27: {  	s21 =	simm.s32 $0x7600;
	[sflag:s13] =	ssyncadd.s32 $0xFFFFFF80  }
0x28: {  	[tilespmem:s21], [sflag:$0x2] =	stream.indirect.gather [hbm4b:s5+s16], $0x40, s19, s16, $0xb8;
	[tilespmem:$0x13600] =	vst v63  }
0x29: {  	s22 =	simm.s32 $0x9600;
	s30 =	simm.s32 $0x0;
	s31 =	simm.s32 $0x0  }
0x2a: {  	[tilespmem:s22], [sflag:$0x2] =	stream.indirect.gather [hbm4b:s5+s16], $0x40, s20, s16, $0xb8;
	[tilespmem:$0x13600] =	vst v63  }
.LBB2_2:
0x2b: {  	p0 =	sgt.u32 s31, $0x61  }
0x2c: {  	s0 =	sand.u32 $0x3, s31;
	p1 =	slt.u32 @!p0 s31, $0x2  }
0x2d: {  	s17 =	sxor.u32 @!p0 $0x2, s0;
	p1 =	por p1, p0  }
0x2e: {  	s1 =	sadd.s32 s8, s31;
	s18 =	sadd.s32 @!p1 $0x5, s17  }
0x2f: {  	s21 =	sshll.u32 @!p0 s1, $0x5;
	_ =	swait.ge @!p1 [sflag:s18], $0x4000  }
0x30: {  	s21 =	sand.u32 @!p0 $0x1FFFFFE0, s21;
	[sflag:s18] =	ssyncset.done @!p1 $0x0  }
0x31: {  	s21 =	sadd.s32 @!p0 s4, s21;
	[sflag:s18] =	ssyncadd.s32 @!p1 $0xFFFFC000;
	s18 =	sshll.u32 @!p0 s17, $0x8  }
0x32: {  	s9 =	simm.s32 @!p0 $0x0;
	s6 =	sadd.s32 @!p0 $0x40, s21;
	s22 =	sadd.s32 @!p0 $0x3200, s18  }
0x33: {  	[tilespmem:s22], [sflag:$0x9] =	stream.linear.gather @!p0 [hbm4b:s6+s9], $0x80, $0x38;
	[tilespmem:$0x13600] =	vst v63  }
0x34: {  	s6 =	simm.s32 @!p0 $0x9  }
0x35: {  	_ =	swait.ge @!p0 [sflag:s6], $0x80  }
0x36: {  	[sflag:s6] =	ssyncset.done @!p0 $0x0  }
0x37: {  	s21 =	sadd.s32 @!p0 $0x50, s21;
	s18 =	sadd.s32 @!p0 $0x3280, s18;
	[sflag:s6] =	ssyncadd.s32 @!p0 $0xFFFFFF80  }
0x38: {  	[tilespmem:s18], [sflag:$0x9] =	stream.linear.gather @!p0 [hbm4b:s21+s9], $0x80, $0x38;
	[tilespmem:$0x13600] =	vst v63  }
0x39: {  	_ =	swait.ge @!p0 [sflag:s6], $0x80  }
0x3a: {  	[sflag:s6] =	ssyncset.done @!p0 $0x0  }
0x3b: {  	[sflag:s6] =	ssyncadd.s32 @!p0 $0xFFFFFF80;
	s6 =	sshll.u32 @!p0 s17, $0xE  }
0x3c: {  	s21 =	simm.s32 @!p0 $0x80;
	s17 =	sadd.s32 @!p0 $0x1, s17;
	s9 =	sor.u32 @!p0 $0x3600, s6  }
0x3d: {  	[tilespmem:s9], [sflag:s17] =	stream.indirect.gather @!p0 [hbm4b:s5+s21], $0x40, s22, s21, $0xb8;
	[tilespmem:$0x13600] =	vst v63  }
0x3e: {  	s6 =	sadd.s32 @!p0 $0x5600, s6  }
0x3f: {  	[tilespmem:s6], [sflag:s17] =	stream.indirect.gather @!p0 [hbm4b:s5+s21], $0x40, s18, s21, $0xb8;
	[tilespmem:$0x13600] =	vst v63  }
0x40: {  	s17 =	sadd.s32 $0x1, s0  }
0x41: {  	_ =	swait.ge [sflag:s17], $0x2000  }
0x42: {  	[sflag:s17] =	ssyncset.done $0x0  }
0x43: {  	[sflag:s17] =	ssyncadd.s32 $0xFFFFE000  }
0x44: {  	_ =	swait.ge [sflag:s17], $0x2000  }
0x45: {  	s18 =	sshll.u32 s1, $0x2;
	[sflag:s17] =	ssyncset.done $0x0  }
0x46: {  	[sflag:s17] =	ssyncadd.s32 $0xFFFFE000;
	s17 =	sand.u32 $0x7FFFFFC0, s18  }
0x47: {  	v1 =	vld [tilespmem:s17+$0x0]  }
0x48: {  	v2 =	vld [tilespmem:s17+$0x30]  }
0x49: {  	s21 =	sand.u32 $0x3, s30;
	v3 =	vld [tilespmem:s17+$0x20]  }
0x4a: {  	s6 =	sshll.u32 s21, $0xE;
	v0 =	vld [tilespmem:s17+$0x10]  }
0x4b: {  	s18 =	sor.u32 $0x3600, s6  }
0x4c: {  	[tilespmem:s18+$0x0] =	vst.add.f32.msk $0xffff, v1  }
0x4d: {  	[tilespmem:s18+$0x1F0] =	vst.add.f32.msk $0xffff, v2  }
0x4e: {  	[tilespmem:s18+$0x1E0] =	vst.add.f32.msk $0xffff, v3  }
0x4f: {  	[tilespmem:s18+$0x1D0] =	vst.add.f32.msk $0xffff, v0  }
0x50: {  	[tilespmem:s18+$0x1C0] =	vst.add.f32.msk $0xffff, v1  }
0x51: {  	[tilespmem:s18+$0x1B0] =	vst.add.f32.msk $0xffff, v2  }
0x52: {  	[tilespmem:s18+$0x1A0] =	vst.add.f32.msk $0xffff, v3  }
0x53: {  	[tilespmem:s18+$0x190] =	vst.add.f32.msk $0xffff, v0  }
0x54: {  	[tilespmem:s18+$0x180] =	vst.add.f32.msk $0xffff, v1  }
0x55: {  	[tilespmem:s18+$0x170] =	vst.add.f32.msk $0xffff, v2  }
0x56: {  	[tilespmem:s18+$0x160] =	vst.add.f32.msk $0xffff, v3  }
0x57: {  	[tilespmem:s18+$0x150] =	vst.add.f32.msk $0xffff, v0  }
0x58: {  	[tilespmem:s18+$0x140] =	vst.add.f32.msk $0xffff, v1  }
0x59: {  	[tilespmem:s18+$0x130] =	vst.add.f32.msk $0xffff, v2  }
0x5a: {  	[tilespmem:s18+$0x120] =	vst.add.f32.msk $0xffff, v3  }
0x5b: {  	[tilespmem:s18+$0x110] =	vst.add.f32.msk $0xffff, v0  }
0x5c: {  	[tilespmem:s18+$0x100] =	vst.add.f32.msk $0xffff, v1  }
0x5d: {  	[tilespmem:s18+$0xF0] =	vst.add.f32.msk $0xffff, v2  }
0x5e: {  	[tilespmem:s18+$0xE0] =	vst.add.f32.msk $0xffff, v3  }
0x5f: {  	[tilespmem:s18+$0xD0] =	vst.add.f32.msk $0xffff, v0  }
0x60: {  	[tilespmem:s18+$0xC0] =	vst.add.f32.msk $0xffff, v1  }
0x61: {  	[tilespmem:s18+$0xB0] =	vst.add.f32.msk $0xffff, v2  }
0x62: {  	[tilespmem:s18+$0xA0] =	vst.add.f32.msk $0xffff, v3  }
0x63: {  	[tilespmem:s18+$0x90] =	vst.add.f32.msk $0xffff, v0  }
0x64: {  	[tilespmem:s18+$0x80] =	vst.add.f32.msk $0xffff, v1  }
0x65: {  	[tilespmem:s18+$0x70] =	vst.add.f32.msk $0xffff, v2  }
0x66: {  	[tilespmem:s18+$0x60] =	vst.add.f32.msk $0xffff, v3  }
0x67: {  	[tilespmem:s18+$0x50] =	vst.add.f32.msk $0xffff, v0  }
0x68: {  	[tilespmem:s18+$0x40] =	vst.add.f32.msk $0xffff, v1  }
0x69: {  	s22 =	sshll.u32 s0, $0xE;
	[tilespmem:s18+$0x30] =	vst.add.f32.msk $0xffff, v2  }
0x6a: {  	s21 =	sor.u32 $0x3600, s22;
	s22 =	simm.s32 $0x0;
	[tilespmem:s18+$0x20] =	vst.add.f32.msk $0xffff, v3  }
.LBB2_3:
0x6b: {  	s22 =	sadd.s32 $0x8, s22;
	[tilespmem:s18+$0x10] =	vst.add.f32.msk $0xffff, v0;
	s18 =	sadd.s32 $0x200, s18  }
0x6c: {  	[tilespmem:s18+$0x0] =	vst.add.f32.msk $0xffff, v1;
	p0 =	slt.u32 s22, $0xF8  }
0x6d: {  	[tilespmem:s18+$0x1F0] =	vst.add.f32.msk $0xffff, v2  }
0x6e: {  	[tilespmem:s18+$0x1E0] =	vst.add.f32.msk $0xffff, v3  }
0x6f: {  	[tilespmem:s18+$0x1D0] =	vst.add.f32.msk $0xffff, v0  }
0x70: {  	[tilespmem:s18+$0x1C0] =	vst.add.f32.msk $0xffff, v1  }
0x71: {  	[tilespmem:s18+$0x1B0] =	vst.add.f32.msk $0xffff, v2  }
0x72: {  	[tilespmem:s18+$0x1A0] =	vst.add.f32.msk $0xffff, v3  }
0x73: {  	[tilespmem:s18+$0x190] =	vst.add.f32.msk $0xffff, v0  }
0x74: {  	[tilespmem:s18+$0x180] =	vst.add.f32.msk $0xffff, v1  }
0x75: {  	[tilespmem:s18+$0x170] =	vst.add.f32.msk $0xffff, v2  }
0x76: {  	[tilespmem:s18+$0x160] =	vst.add.f32.msk $0xffff, v3  }
0x77: {  	[tilespmem:s18+$0x150] =	vst.add.f32.msk $0xffff, v0  }
0x78: {  	[tilespmem:s18+$0x140] =	vst.add.f32.msk $0xffff, v1  }
0x79: {  	[tilespmem:s18+$0x130] =	vst.add.f32.msk $0xffff, v2  }
0x7a: {  	[tilespmem:s18+$0x120] =	vst.add.f32.msk $0xffff, v3  }
0x7b: {  	[tilespmem:s18+$0x110] =	vst.add.f32.msk $0xffff, v0  }
0x7c: {  	[tilespmem:s18+$0x100] =	vst.add.f32.msk $0xffff, v1  }
0x7d: {  	[tilespmem:s18+$0xF0] =	vst.add.f32.msk $0xffff, v2  }
0x7e: {  	[tilespmem:s18+$0xE0] =	vst.add.f32.msk $0xffff, v3  }
0x7f: {  	[tilespmem:s18+$0xD0] =	vst.add.f32.msk $0xffff, v0  }
0x80: {  	[tilespmem:s18+$0xC0] =	vst.add.f32.msk $0xffff, v1  }
0x81: {  	[tilespmem:s18+$0xB0] =	vst.add.f32.msk $0xffff, v2  }
0x82: {  	[tilespmem:s18+$0xA0] =	vst.add.f32.msk $0xffff, v3  }
0x83: {  	[tilespmem:s18+$0x90] =	vst.add.f32.msk $0xffff, v0  }
0x84: {  	[tilespmem:s18+$0x80] =	vst.add.f32.msk $0xffff, v1  }
0x85: {  	[tilespmem:s18+$0x70] =	vst.add.f32.msk $0xffff, v2  }
.Ltmp0:
0x86: {  	[tilespmem:s18+$0x60] =	vst.add.f32.msk $0xffff, v3;
	(pc) =	sbr.rel @p0 .LBB2_3-.Ltmp0, $4  }
0x87: {  	[tilespmem:s18+$0x50] =	vst.add.f32.msk $0xffff, v0  }
0x88: {  	[tilespmem:s18+$0x40] =	vst.add.f32.msk $0xffff, v1  }
0x89: {  	[tilespmem:s18+$0x30] =	vst.add.f32.msk $0xffff, v2  }
0x8a: {  	[tilespmem:s18+$0x20] =	vst.add.f32.msk $0xffff, v3  }
0x8b: {  	s1 =	sshll.u32 s1, $0x8  }
0x8c: {  	s31 =	sadd.s32 $0x1, s31;
	s1 =	sand.u32 $0xF00, s1  }
0x8d: {  	p0 =	sne.s32 s31, $0x64;
	s1 =	smul.u32 $0x3200, s1  }
.Ltmp1:
0x8e: {  	_ = 	snop;
	(pc) =	sbr.rel @p0 .LBB2_2-.Ltmp1, $4  }
0x8f: {  	s1 =	sadd.s32 s17, s1  }
0x90: {  	s1 =	sshrl.u32 s1, $0x3  }
0x91: {  	[tilespmem:s18+$0x10] =	vst.add.f32.msk $0xffff, v0;
	s0 =	sadd.s32 $0x5, s0;
	s30 =	sadd.s32 $0x1, s30;
	s1 =	sadd.s32 s2, s1  }
0x92: {  	[hbm4b:s1+s23] =	stream.strided.scatter [tilespmem:s21], [sflag:s0], $0x4000, s14, s23, $0x38;
	[tilespmem:$0x13600] =	vst v63  }
0x93: {  	_ =	swait.ge [sflag:s24], $0x4000  }
0x94: {  	[sflag:s24] =	ssyncset.done $0x0  }
0x95: {  	[sflag:s24] =	ssyncadd.s32 $0xFFFFC000  }
0x96: {  	_ =	swait.ge [sflag:s25], $0x4000  }
0x97: {  	[sflag:s25] =	ssyncset.done $0x0  }
0x98: {  	s29 =	sadd.s32 $0x1, s29;
	[sflag:s25] =	ssyncadd.s32 $0xFFFFC000  }
0x99: {  	p0 =	sne.s32 s29, s12;
	_ =	swait.ge [sflag:s26], $0x4000  }
.Ltmp2:
0x9a: {  	[sflag:s26] =	ssyncset.done $0x0;
	(pc) =	sbr.rel @p0 .LBB2_1-.Ltmp2, $4  }
0x9b: {  	[sflag:s26] =	ssyncadd.s32 $0xFFFFC000  }
0x9c: {  	_ =	swait.ge [sflag:s28], $0x4000  }
0x9d: {  	[sflag:s28] =	ssyncset.done $0x0  }
0x9e: {  	[sflag:s28] =	ssyncadd.s32 $0xFFFFC000  }
0x9f: {  	_ =	sfence.sel $0x180000  }
0xa0: {  	[bflag:$0x0] =	sbarrier.arrive $0xFFFF  }
0xa1: {  	_ =	strace $0x90000047  }
0xa2: {  	s0 =	stileid.u32;
	[bflag:$0x2] =	sbarrier.arrive $0xFFFF  }
0xa3: {  	p0 =	sne.s32 s0, $0x0;
	s0 =	rddreg [dreg:$0x2]  }
0xa4: {  	s0 =	sadd.s32 @!p0 $0x100000, s0  }
0xa5: {  	[sflag:s0] =	ssyncadd.tile.s32 @!p0 $0x1;
	_ =	shalt  }
.Lfunc_end2:
_tile_overlayer_lowered:
.L_overlay_start_2:
0xa6: {  	(tag) =	ssettag $0x2  }
0xa7: {  	s0 =	rddreg [dreg:$0x0];
	s2 =	stileid.u32  }
0xa8: {  	s1 =	rddreg [dreg:$0x1];
	p0 =	sne.s32 s2, $0x0  }
0xa9: {  	s3 =	rddreg [dreg:$0x2];
	[bflag:$0x3] =	sbarrier.arrive $0xFFFF;
	s2 =	simm.s32 @!p0 $0x1C09  }
0xaa: {  	[timem:s3], [sflag:s2] =	dma.local @!p0 [hbm:s0], s1  }
0xab: {  	s0 =	simm.s32 @!p0 $0x9  }
0xac: {  	_ =	swait.ge @!p0 [sflag:s0], s1  }
0xad: {  	s1 =	ssub.s32 @!p0 $0x0, s1;
	[sflag:s0] =	ssyncset.done @!p0 $0x0  }
0xae: {  	[sflag:s0] =	ssyncadd.s32 @!p0 s1  }
0xaf: {  	[bflag:$0x3] =	sbarrier.arrive $0xFFFF  }
0xb0: {  	_ =	shalt  }

// kernel: sparse-core-data-format-call.cloned.1.call-start
scs
called_computation_lowered:
.L_overlay_start_0:
0x0: {  	s2 =	sld [smem:$0x3FD9]  }
0x1: {  	s3 =	sld [smem:$0x3FFE];
	_ =	sdelay $0x1  }
0x2: {  	s1 =	srdreg.scid  }
0x3: {  	s0 =	sand.u32 $0x1, s1  }
0x4: {  	s18 =	sshll.u32 s0, $0xA;
	s2 =	sadd.s32 s3, s2  }
0x5: {  	s2 =	sadd.s32 s2, s18  }
0x6: {  	[smem:$0x3FC5] =	sst s2  }
0x7: {  	_ = 	snop  }
0x8: {  	s2 =	sld [smem:$0x3FD0];
	(tm) =	ssettm $0x1  }
0x9: {  	s19 =	sld [smem:$0x3FFB];
	_ =	sdelay $0x3  }
0xa: {  	_ =	strace s19  }
0xb: {  	s3 =	sld [smem:$0x3FFC];
	_ =	sdelay $0x3  }
0xc: {  	_ =	strace s3  }
0xd: {  	s3 =	sld [smem:$0x3FFD];
	_ =	sdelay $0x3  }
0xe: {  	_ =	strace s3  }
0xf: {  	_ =	strace $0x8FFFFFFF  }
0x10: {  	s20 =	sld [smem:$0x3FDB];
	_ =	sdelay $0x1  }
0x11: {  	s4 =	simm.s32 $_scs_section_size  }
0x12: {  	s5 =	simm.s32 $_size__tile_overlayer_lowered;
	s6 =	simm.s32 $_tile_overlayer_lowered  }
0x13: {  	s23 =	simm.s32 $0x1BFF;
	s22 =	sshll.u32 s6, $0x1;
	s3 =	sadd.s32 s4, s20  }
0x14: {  	s7 =	simm.s32 $0x0;
	s21 =	sshll.u32 s5, $0x1;
	s5 =	sadd.s32 s22, s3  }
0x15: {  	[timem:s7], [sflag:s23] =	dma.local [hbm:s5], s21  }
0x16: {  	_ =	swait.ge [sflag:s23], s21  }
0x17: {  	s4 =	ssub.s32 $0x0, s21;
	[sflag:s23] =	ssyncset.done $0x0  }
0x18: {  	[sflag:s23] =	ssyncadd.s32 s4;
	_ =	sdelay $0x1  }
0x19: {  	s24 =	simm.s32 $0x1B8B  }
0x1a: {  	_ =	swait.ge [sflag:s24], $0x1  }
0x1b: {  	[sflag:s24] =	ssyncset.done $0x0  }
0x1c: {  	s26 =	simm.s32 $0x1B8E;
	s25 =	sld [smem:$0x3FFE];
	[sflag:s24] =	ssyncadd.s32 $0xFFFFFFFF  }
0x1d: {  	s27 =	simm.s32 $execute0_lowered;
	[smem:$0x3FD2] =	sst s26  }
0x1e: {  	s5 =	sshll.u32 s27, $0x1;
	_ =	strace $0x80000049;
	[dreg:$0x1] =	wrdreg $0xFFFFFFFF  }
0x1f: {  	s28 =	simm.s32 $_size_execute0_lowered;
	s3 =	sadd.s32 s3, s5;
	[dreg:$0x0] =	wrdreg $0x0  }
0x20: {  	s5 =	sshll.u32 s28, $0x1;
	[dreg:$0x2] =	wrdreg s3  }
0x21: {  	[dreg:$0x3] =	wrdreg s5  }
0x22: {  	[dreg:$0x4] =	wrdreg $0xC0  }
0x23: {  	_ =	task [dreg:s7], $0x5FFFF  }
0x24: {  	[dreg:$0x1] =	wrdreg $0xFFFFFFFF  }
0x25: {  	[dreg:$0x0] =	wrdreg $0x60  }
0x26: {  	[dreg:$0x2] =	wrdreg s25  }
0x27: {  	[dreg:$0x3] =	wrdreg s2  }
0x28: {  	[dreg:$0x4] =	wrdreg $0x9  }
0x29: {  	_ =	task.clear_ibuf [dreg:s7], $0x5FFFF;
	_ =	strace $0x90000049  }
0x2a: {  	s29 =	simm.s32 $0x9;
	_ =	strace $0x8000004B  }
0x2b: {  	_ =	swait.ge [sflag:s29], $0x1  }
0x2c: {  	[sflag:s29] =	ssyncadd.s32 $0xFFFFFFFF  }
0x2d: {  	_ =	strace $0x9000004B  }
0x2e: {  	_ =	sfence  }
0x2f: {  	s30 =	sld [smem:$0x0];
	_ =	sdelay $0x2  }
0x30: {  	s31 =	sshll.u32 s1, $0xD;
	s1 =	sshrl.u32 s1, $0x2  }
0x31: {  	s3 =	sand.u32 $0x4000, s31;
	s1 =	sadd.s32 s1, s30  }
0x32: {  	s0 =	sor.u32 s3, s0;
	s1 =	sshll.u32 s1, $0x11  }
0x33: {  	s0 =	sor.u32 s1, s0  }
0x34: {  	s0 =	sadd.s32 $0x8F2B, s0  }
0x35: {  	[sflag:s0] =	ssyncadd.remote.s32 $0x1  }
0x36: {  	_ =	sfence.sel $0xFFFF  }
0x37: {  	[dreg:$0x0] =	wrdreg $0xFFFFFFFF;
	(pc) =	sbr.abs _section_cstart, $3  }
0x38: {  	[dreg:$0x1] =	wrdreg $0xFFFFFFFF  }
0x39: {  	_ =	task.clear_ibuf [dreg:s7], $0x2FFFF;
	_ =	strace $0x9FFFFFFF  }
0x3a: {  	(tm) =	ssettm $0x7FFFFFFF  }
0x3b: {  	_ =	shalt  }
tec
execute0_lowered:
.L_overlay_start_1:
0x0: {  	(tag) =	ssettag $0x1  }
0x1: {  	s0 =	srdreg.scid  }
0x2: {  	s1 =	sshll.u32 s0, $0x4  }
0x3: {  	s0 =	stileid.u32;
	s1 =	sand.u32 $0x10, s1  }
0x4: {  	s1 =	sor.u32 s0, s1  }
0x5: {  	s6 =	rddreg [dreg:$0x0];
	s4 =	simm.s32 $0x1;
	s2 =	sshll.u32 s1, $0x7  }
0x6: {  	s7 =	simm.s32 $0x2;
	s12 =	simm.s32 $0x0;
	s1 =	ssub.s32 $0x1000, s2  }
0x7: {  	s8 =	simm.s32 $0x8000;
	s13 =	simm.s32 $0x0;
	s3 =	sand.u32 $0xF80, s1  }
0x8: {  	s9 =	simm.s32 $0x0;
	s5 =	sshrl.u32 s1, $0xC;
	p0 =	sne.s32 s3, $0x0  }
.Ltmp0:
0x9: {  	s1 =	rddreg [dreg:$0x2];
	s4 =	simm.s32 @!p0 $0x0;
	(pc) =	sbr.rel .LBB1_1-.Ltmp0, $4  }
0xa: {  	s11 =	simm.s32 $0x0;
	s3 =	rddreg [dreg:$0x1];
	s5 =	sadd.s32 s4, s5  }
0xb: {  	_ =	strace $0x8000004A;
	s4 =	simm.s32 $0x1;
	s5 =	smul.u32 $0xC8, s5  }
0xc: {  	s6 =	sadd.s32 $0x800, s6;
	s10 =	smov.u32 s2;
	[sflag:s4] =	ssyncpa.u1 $0x0  }
0xd: {  	p0 =	por $0x0, $0x0;
	[sflag:s7] =	ssyncpa.u1 $0x0;
	s7 =	sor.u32 $0x1, s5  }
.LBB1_4:
0xe: {  	s16 =	sshll.u32 s13, $0x3;
	s17 =	sand.u32 $0x78, s13  }
0xf: {  	s30 =	sand.u32 $0x7E00, s13;
	s12 =	sshll.u32 s12, $0xF;
	s16 =	sand.u32 $0xC00, s16  }
0x10: {  	[tilespmem:s15+$0x810 ss:$0x81] =	vst.msk $0xffff, v2;
	s31 =	sand.u32 $0x7, s13;
	s16 =	sor.u32 s17, s16;
	s17 =	sadd.s32 s3, s30  }
0x11: {  	[tilespmem:s15+$0x1020 ss:$0x81] =	vst.msk $0xffff, v0;
	s13 =	sshll.u32 s31, $0x12;
	s12 =	sadd.s32 s12, s17;
	s16 =	sshrl.u32 s16, $0x3  }
0x12: {  	[tilespmem:s15+$0x0 ss:$0x81] =	vst.msk $0xffff, v1;
	s13 =	sor.u32 $0x400, s13;
	s12 =	sadd.s32 s16, s12  }
0x13: {  	[hbm4b:s12+s13] =	stream.strided.scatter [tilespmem:s14], [sflag:$0x2], $0x2000, s8, s13, $0x20;
	[tilespmem:$0x8080] =	vst v63  }
.LBB1_5:
0x14: {  	s14 =	sadd.s32 $0x1, s9  }
0x15: {  	s12 =	sadd.s32 $0x1000, s10;
	s16 =	smov.u32 s10;
	p2 =	sgt.s32 s14, $0xC7  }
0x16: {  	s16 =	smov.u32 @p2 s12  }
0x17: {  	s14 =	simm.s32 @p2 $0x0;
	p2 =	sgt.s32 s16, $0xFFF  }
0x18: {  	s16 =	smov.u32 @p2 s2;
	p2 =	sne.s32 s11, s7  }
.Ltmp1:
0x19: {  	p1 =	slt.u32 s11, $0x2;
	(pc) =	sbr.rel @!p2 .LBB1_6-.Ltmp1, $4  }
0x1a: {  	s15 =	simm.s32 @!p1 $0x2  }
0x1b: {  	s13 =	smov.u32 s10;
	p0 =	por !p0, !p0;
	_ =	swait.ge @!p1 [sflag:s15], $0x2000  }
0x1c: {  	s12 =	smov.u32 s9;
	[sflag:s15] =	ssyncset.done @!p1 $0x0;
	s9 =	smov.u32 s14  }
0x1d: {  	s11 =	sadd.s32 $0x1, s11;
	[sflag:s15] =	ssyncadd.s32 @!p1 $0xFFFFE000;
	s10 =	smov.u32 s16  }
.LBB1_1:
0x1e: {  	p1 =	sge.u32 s11, s5  }
0x1f: {  	s14 =	sand.u32 @!p1 $0x1FFFFFF, s9  }
0x20: {  	s15 =	smulhi.u32 @!p1 $0x147AE15, s14;
	_ =	sdelay $0x1  }
0x21: {  	s15 =	smul.u32 @!p1 $0xC8, s15  }
0x22: {  	s16 =	sxor.u32 @!p1 $0xFFFFFFFF, s11;
	s17 =	smul.u32 @!p1 $0xC80, s10  }
0x23: {  	s31 =	sadd.s32 $0xFFFFFFFF, s11;
	s16 =	sshll.u32 @!p1 s16, $0xD;
	s14 =	ssub.s32 @!p1 s14, s15  }
0x24: {  	s15 =	sand.u32 @!p1 $0x2000, s16;
	s16 =	sadd.s32 @!p1 s6, s17;
	s14 =	sshll.u32 @!p1 s14, $0x4  }
0x25: {  	s17 =	simm.s32 @!p1 $0x6400;
	s14 =	sadd.s32 @!p1 s14, s16;
	s16 =	simm.s32 @!p1 $0x40  }
0x26: {  	[tilespmem:s15], [sflag:$0x1] =	stream.strided.gather @!p1 [hbm4b:s14+s16], $0x2000, s17, s16, $0x38;
	[tilespmem:$0x8080] =	vst v63  }
0x27: {  	p1 =	sge.u32 s31, s5  }
.Ltmp2:
0x28: {  	_ = 	snop;
	(pc) =	sbr.rel @p1 .LBB1_5-.Ltmp2, $1  }
0x29: {  	_ =	sdelay $0x3  }
0x2a: {  	s14 =	simm.s32 $0x1  }
0x2b: {  	_ =	swait.ge [sflag:s4], $0x2000;
	s14 =	simm.s32 @!p0 $0x0  }
0x2c: {  	[sflag:s4] =	ssyncset.done $0x0;
	s15 =	sshll.u32 s14, $0xD  }
0x2d: {  	[sflag:s4] =	ssyncadd.s32 $0xFFFFE000;
	s18 =	sor.u32 $0x20, s15  }
0x2e: {  	s14 =	smul.u32 $0x8100, s14;
	v3 =	vld [tilespmem:s18+$0x10]  }
0x2f: {  	s30 =	sand.u32 $0x1, s11;
	v2 =	vld [tilespmem:s18+$0xFFFFFFF0]  }
0x30: {  	s15 =	smul.u32 $0x8100, s30;
	s14 =	sshrl.u32 s14, $0x2;
	v0 =	vld [tilespmem:s18+$0x0]  }
0x31: {  	v1 =	vld [tilespmem:s18+$0xFFFFFFE0];
	s16 =	sor.u32 $0x4000, s14  }
0x32: {  	s31 =	sshrl.u32 s15, $0x2;
	s15 =	sadd.s32 $0x0, s16  }
0x33: {  	s17 =	simm.s32 $0x4;
	s18 =	sadd.s32 $0x40, s18;
	s14 =	sor.u32 $0x4000, s31;
	[tilespmem:s15+$0x1830 ss:$0x81] =	vst.msk $0xffff, v3  }
.LBB1_3:
0x34: {  	v3 =	vld [tilespmem:s18+$0x10];
	p1 =	sne.s32 s17, $0x1FC;
	[tilespmem:s15+$0x810 ss:$0x81] =	vst.msk $0xffff, v2;
	s19 =	smov.u32 s17;
	s17 =	sadd.s32 $0x4, s17  }
.Ltmp3:
0x35: {  	v2 =	vld [tilespmem:s18+$0xFFFFFFF0];
	[tilespmem:s15+$0x1020 ss:$0x81] =	vst.msk $0xffff, v0;
	(pc) =	sbr.rel @p1 .LBB1_3-.Ltmp3, $4  }
0x36: {  	v0 =	vld [tilespmem:s18+$0x0];
	[tilespmem:s15+$0x0 ss:$0x81] =	vst.msk $0xffff, v1  }
0x37: {  	s15 =	sshra.s32 s19, $0x2;
	v1 =	vld [tilespmem:s18+$0xFFFFFFE0]  }
0x38: {  	s15 =	sadd.s32 s15, s16  }
0x39: {  	s18 =	sadd.s32 $0x40, s18;
	[tilespmem:s15+$0x1830 ss:$0x81] =	vst.msk $0xffff, v3  }
.Ltmp4:
0x3a: {  	_ = 	snop;
	(pc) =	sbr.rel .LBB1_4-.Ltmp4, $1  }
0x3b: {  	_ =	sdelay $0x3  }
.LBB1_6:
0x3c: {  	_ =	sfence.sel $0x180000  }
0x3d: {  	s2 =	simm.s32 $0x1;
	[bflag:$0x0] =	sbarrier.arrive $0xFFFF  }
0x3e: {  	s31 =	simm.s32 $0x2;
	[sflag:s2] =	ssyncpa.u1 $0x1  }
0x3f: {  	[sflag:s31] =	ssyncpa.u1 $0x1  }
0x40: {  	p0 =	sne.s32 s0, $0x0;
	_ =	strace $0x9000004A  }
0x41: {  	s0 =	sadd.s32 @!p0 $0x100000, s1;
	[bflag:$0x2] =	sbarrier.arrive $0xFFFF  }
0x42: {  	[sflag:s0] =	ssyncadd.tile.s32 @!p0 $0x1;
	_ =	shalt  }
.Lfunc_end1:
_tile_overlayer_lowered:
.L_overlay_start_2:
0x43: {  	(tag) =	ssettag $0x2  }
0x44: {  	s0 =	rddreg [dreg:$0x0];
	s2 =	stileid.u32  }
0x45: {  	s1 =	rddreg [dreg:$0x1];
	p0 =	sne.s32 s2, $0x0  }
0x46: {  	s3 =	rddreg [dreg:$0x2];
	[bflag:$0x3] =	sbarrier.arrive $0xFFFF;
	s2 =	simm.s32 @!p0 $0x1C01  }
0x47: {  	[timem:s3], [sflag:s2] =	dma.local @!p0 [hbm:s0], s1  }
0x48: {  	s0 =	simm.s32 @!p0 $0x1  }
0x49: {  	_ =	swait.ge @!p0 [sflag:s0], s1  }
0x4a: {  	s1 =	ssub.s32 @!p0 $0x0, s1;
	[sflag:s0] =	ssyncset.done @!p0 $0x0  }
0x4b: {  	[sflag:s0] =	ssyncadd.s32 @!p0 s1  }
0x4c: {  	[bflag:$0x3] =	sbarrier.arrive $0xFFFF  }
0x4d: {  	_ =	shalt  }

</sc_bundles>
